<compile_context>
chip_gen: v7x
topology: tpu7x:2x2x1
jax: 0.10.2.dev20260603
libtpu: 0.0.44.dev20260713+nightly
codegen_flags: <defaults>
</compile_context>

<pallas_src>
import functools

import jax
import jax.numpy as jnp
from jax import lax
from jax.experimental import pallas as pl
from jax.experimental.pallas import tpu as pltpu
from jax.experimental.pallas import tpu_sc as plsc

N = 10000
D = 128
E = 320000

NC = 2
NS = 16
NW = NC * NS

K = 100
EPT = E // NW
CHUNKS = EPT // K
N_PAD = 10112
ROWS_PT = N_PAD // NS

_MM_BLOCK = 1000



def _fused_mm_body(p_ref0, p_ref1, b_ref, w1_ref, w2_ref, o_ref):
    h = jnp.maximum(
        jnp.dot(p_ref0[0] + p_ref1[0], w1_ref[...],
                preferred_element_type=jnp.float32) + b_ref[...], 0.0)
    o_ref[...] = jnp.dot(h, w2_ref[...], preferred_element_type=jnp.float32)


def _tc_fused_mms(p, b, w1, w2):
    return pl.pallas_call(
        _fused_mm_body,
        grid=(N // _MM_BLOCK,),
        in_specs=[
            pl.BlockSpec((1, _MM_BLOCK, D), lambda i: (0, i, 0)),
            pl.BlockSpec((1, _MM_BLOCK, D), lambda i: (1, i, 0)),
            pl.BlockSpec((1, D), lambda i: (0, 0)),
            pl.BlockSpec((D, D), lambda i: (0, 0)),
            pl.BlockSpec((D, D), lambda i: (0, 0)),
        ],
        out_specs=pl.BlockSpec((_MM_BLOCK, D), lambda i: (i, 0)),
        out_shape=jax.ShapeDtypeStruct((N, D), jnp.float32),
    )(p, p, b, w1, w2)


def _comb_body(p_ref0, p_ref1, b_ref, o_ref):
    o_ref[...] = p_ref0[0] + p_ref1[0] + b_ref[...]


def _tc_combine(p, b):
    return pl.pallas_call(
        _comb_body,
        grid=(N // _MM_BLOCK,),
        in_specs=[
            pl.BlockSpec((1, _MM_BLOCK, D), lambda i: (0, i, 0)),
            pl.BlockSpec((1, _MM_BLOCK, D), lambda i: (1, i, 0)),
            pl.BlockSpec((1, D), lambda i: (0, 0)),
        ],
        out_specs=pl.BlockSpec((_MM_BLOCK, D), lambda i: (i, 0)),
        out_shape=jax.ShapeDtypeStruct((N, D), jnp.float32),
    )(p, p, b)



@functools.partial(
    pl.kernel,
    out_type=jax.ShapeDtypeStruct((NC, N_PAD, D), jnp.float32),
    mesh=plsc.VectorSubcoreMesh(core_axis_name="c", subcore_axis_name="s"),
    scratch_types=[
        pltpu.VMEM((4, 2, K), jnp.int32),
        pltpu.VMEM((2, K, D), jnp.float32),
        pltpu.VMEM_SHARED((N_PAD, D), jnp.float32),
        [pltpu.SemaphoreType.DMA] * 2,
        [pltpu.SemaphoreType.DMA] * 2,
        [pltpu.SemaphoreType.DMA] * 4,
        pltpu.SemaphoreType.DMA,
    ],
)
def _sc_segment_sum(h_hbm, eidx_hbm, zeros_hbm, out_hbm,
                    slab, rows_v, accum, gsems, ssems, slsems, zsem):
    c = lax.axis_index("c")
    s = lax.axis_index("s")
    wid = s * NC + c

    zdesc = pltpu.async_copy(zeros_hbm.at[pl.ds(s * ROWS_PT, ROWS_PT)],
                             accum.at[pl.ds(s * ROWS_PT, ROWS_PT)], zsem)

    def gather(sl, p):
        pltpu.async_copy(h_hbm.at[slab.at[sl, 0]], rows_v.at[p], gsems[p])

    def wait_gather(sl, p):
        pltpu.make_async_copy(h_hbm.at[slab.at[sl, 0]], rows_v.at[p],
                              gsems[p]).wait()

    def scatter(sl, p):
        pltpu.async_copy(rows_v.at[p], accum.at[slab.at[sl, 1]], ssems[p],
                         add=True)

    def wait_scatter(sl, p):
        pltpu.make_async_copy(rows_v.at[p], accum.at[slab.at[sl, 1]],
                              ssems[p]).wait()

    def load_slab(j, sl):
        pltpu.async_copy(eidx_hbm.at[wid, j], slab.at[sl], slsems[sl])

    def wait_slab(j, sl):
        pltpu.make_async_copy(eidx_hbm.at[wid, j], slab.at[sl],
                              slsems[sl]).wait()

    pltpu.sync_copy(eidx_hbm.at[wid, 0], slab.at[0])
    gather(0, 0)
    load_slab(1, 1)
    zdesc.wait()
    plsc.subcore_barrier()

    def quad_body(t, _):
        for q in range(4):
            j = 4 * t + q
            p = q % 2
            np_ = 1 - p

            if q == 0:
                @pl.when(t > 0)
                def _():
                    wait_scatter((q - 1) % 4, np_)
            else:
                wait_scatter(q - 1, np_)

            @pl.when(j + 1 < CHUNKS)
            def _():
                wait_slab(j + 1, (q + 1) % 4)
                gather((q + 1) % 4, np_)

            wait_gather(q, p)
            scatter(q, p)

            @pl.when(j + 2 < CHUNKS)
            def _():
                load_slab(j + 2, (q + 2) % 4)
        return 0

    lax.fori_loop(0, CHUNKS // 4, quad_body, 0)

    wait_scatter((CHUNKS - 1) % 4, (CHUNKS - 1) % 2)

    plsc.subcore_barrier()
    pltpu.sync_copy(accum.at[pl.ds(s * ROWS_PT, ROWS_PT)],
                    out_hbm.at[c, pl.ds(s * ROWS_PT, ROWS_PT)])



def kernel(x, edge_index, W1, b1, W2, b2):
    eidx = jnp.stack([edge_index[1].reshape(NW, CHUNKS, K),
                      edge_index[0].reshape(NW, CHUNKS, K)], axis=2)
    zeros = jnp.zeros((N_PAD, D), jnp.float32)
    b1r = b1.reshape(1, D)
    b2r = b2.reshape(1, D)

    p = _sc_segment_sum(x, eidx, zeros)
    h = _tc_fused_mms(p, b1r, W1, W2)
    q = _sc_segment_sum(h, eidx, zeros)
    return _tc_combine(q, b2r)

# --- scband reference (transcript-rebuilt; emitter-appended) ---
"""Pipeline reference for scband-gcn-56822417326210 (READ-ONLY COPY).

The authoritative reference and input builder live on the scoring server;
editing this copy changes nothing except your own understanding.
"""

import jax, jax.numpy as jnp
import numpy as np

N = 10000
E = 320000
D = 128

def _xavier_uniform(key, fan_in, fan_out):
    lim = np.sqrt(6.0 / (fan_in + fan_out))
    return jax.random.uniform(key, (fan_in, fan_out), dtype=jnp.float32, minval=-lim, maxval=lim)

def setup_inputs(seed: int = 0) -> dict:
    key = jax.random.key(seed)
    k1, k2, k3, k4 = jax.random.split(key, 4)
    x = jax.random.normal(k1, (N, D), dtype=jnp.float32)
    edge_index = jax.random.randint(k2, (2, E), 0, N, dtype=jnp.int32)
    W1 = _xavier_uniform(k3, D, D)
    b1 = jnp.zeros((D,), dtype=jnp.float32)
    W2 = _xavier_uniform(k4, D, D)
    b2 = jnp.zeros((D,), dtype=jnp.float32)
    return {"x": x, "edge_index": edge_index, "W1": W1, "b1": b1, "W2": W2, "b2": b2}

def reference(x, edge_index, W1, b1, W2, b2):
    # GCN forward with dropout=0.0 (identity in that case).
    # adj @ (x @ W) + b realized as gather(src) + segment_sum(dst):
    # out[i] = sum_{(j->i) in edges} (x @ W)[j] + b
    dst = edge_index[0]
    src = edge_index[1]
    # layer 1
    h = x @ W1
    h = jax.ops.segment_sum(h[src], dst, num_segments=N) + b1
    h = jax.nn.relu(h)
    # layer 2 (output layer, no activation)
    h = h @ W2
    h = jax.ops.segment_sum(h[src], dst, num_segments=N) + b2
    return h

if __name__ == "__main__":
    import jax
    _d = setup_inputs()
    print(jax.jit(kernel)(*tuple(_d.values())))

</pallas_src>

<mosaic_0001>
#map = affine_map<(d0, d1) -> (0, 0)>
#map1 = affine_map<(d0, d1) -> (0, 0, 0, 0)>
#map2 = affine_map<(d0, d1) -> (0, 0, 0)>
module attributes {stable_mosaic.version = 14 : i64} {
  func.func @_sc_segment_sum(%arg0: i32, %arg1: i32, %arg2: memref<10000x128xf32, #tpu.memory_space<hbm>>, %arg3: memref<32x100x2x100xi32, #tpu.memory_space<hbm>>, %arg4: memref<10112x128xf32, #tpu.memory_space<hbm>>, %arg5: memref<2x10112x128xf32, #tpu.memory_space<hbm>>, %arg6: memref<4x2x100xi32, #tpu.memory_space<vmem>>, %arg7: memref<2x100x128xf32, #tpu.memory_space<vmem>>, %arg8: memref<10112x128xf32, #tpu.memory_space<vmem_shared>>, %arg9: memref<!tpu.dma_semaphore, #tpu.memory_space<semaphore_mem>>, %arg10: memref<!tpu.dma_semaphore, #tpu.memory_space<semaphore_mem>>, %arg11: memref<!tpu.dma_semaphore, #tpu.memory_space<semaphore_mem>>, %arg12: memref<!tpu.dma_semaphore, #tpu.memory_space<semaphore_mem>>, %arg13: memref<!tpu.dma_semaphore, #tpu.memory_space<semaphore_mem>>, %arg14: memref<!tpu.dma_semaphore, #tpu.memory_space<semaphore_mem>>, %arg15: memref<!tpu.dma_semaphore, #tpu.memory_space<semaphore_mem>>, %arg16: memref<!tpu.dma_semaphore, #tpu.memory_space<semaphore_mem>>, %arg17: memref<!tpu.dma_semaphore, #tpu.memory_space<semaphore_mem>>) attributes {dimension_semantics = [#tpu.dimension_semantics<core_parallel>, #tpu.dimension_semantics<subcore_parallel>], iteration_bounds = array<i64: 2, 16>, scalar_prefetch = 0 : i64, scratch_operands = 12 : i64, tpu.core_type = #tpu.core_type<sc_vector_subcore>, window_params = [{transform_indices = #map}, {transform_indices = #map1}, {transform_indices = #map}, {transform_indices = #map2}]} {
    %mul3A = arith.constant 2 : i32
    %mul3A_0 = arith.muli %arg1, %mul3A : i32
    %add3A = arith.addi %mul3A_0, %arg0 : i32
    %mul3A_1 = arith.constant 632 : i32
    %mul3A_2 = arith.muli %arg1, %mul3A_1 : i32
    %mul3A_3 = arith.constant 632 : i32
    %mul3A_4 = arith.muli %arg1, %mul3A_3 : i32
    %dma_start3A = arith.constant 0 : i32
    %dma_start3A_5 = tpu.memref_slice %arg8[%mul3A_4, %dma_start3A] : memref<10112x128xf32, #tpu.memory_space<vmem_shared>> -> memref<632x128xf32, #tpu.memory_space<vmem_shared>>
    %dma_start3A_6 = arith.constant 0 : i32
    %dma_start3A_7 = tpu.memref_slice %arg4[%mul3A_2, %dma_start3A_6] : memref<10112x128xf32, #tpu.memory_space<hbm>> -> memref<632x128xf32, #tpu.memory_space<hbm>>
    tpu.enqueue_dma source(%dma_start3A_7 : memref<632x128xf32, #tpu.memory_space<hbm>>) target(%dma_start3A_5 : memref<632x128xf32, #tpu.memory_space<vmem_shared>>) target_semaphore(%arg17 : memref<!tpu.dma_semaphore, #tpu.memory_space<semaphore_mem>>)
    %run_scoped3A = arith.constant 0 : i32
    %run_scoped3A_8 = arith.constant 0 : i32
    "tpu.region"() ({
      %run_scoped3A_67 = tpu.sem_alloc : memref<!tpu.dma_semaphore, #tpu.memory_space<semaphore_mem>>
      %dma_start3A_68 = arith.constant 0 : i32
      %dma_start3A_69 = arith.constant 0 : i32
      %dma_start3A_70 = tpu.memref_slice %arg6[%run_scoped3A_8, %dma_start3A_68, %dma_start3A_69] : memref<4x2x100xi32, #tpu.memory_space<vmem>> -> memref<1x2x100xi32, #tpu.memory_space<vmem>>
      %dma_start3A_71 = tpu.memref_squeeze %dma_start3A_70 : memref<1x2x100xi32, #tpu.memory_space<vmem>> -> memref<2x100xi32, #tpu.memory_space<vmem>>
      %dma_start3A_72 = arith.constant 0 : i32
      %dma_start3A_73 = arith.constant 0 : i32
      %dma_start3A_74 = tpu.memref_slice %arg3[%add3A, %run_scoped3A, %dma_start3A_72, %dma_start3A_73] : memref<32x100x2x100xi32, #tpu.memory_space<hbm>> -> memref<1x1x2x100xi32, #tpu.memory_space<hbm>>
      %dma_start3A_75 = tpu.memref_squeeze %dma_start3A_74 : memref<1x1x2x100xi32, #tpu.memory_space<hbm>> -> memref<2x100xi32, #tpu.memory_space<hbm>>
      %dma_start3A_76 = arith.constant 0 : i32
      %dma_start3A_77 = arith.constant 0 : i32
      %dma_start3A_78 = tpu.memref_slice %arg6[%run_scoped3A_8, %dma_start3A_76, %dma_start3A_77] : memref<4x2x100xi32, #tpu.memory_space<vmem>> -> memref<1x2x100xi32, #tpu.memory_space<vmem>>
      %dma_start3A_79 = tpu.memref_squeeze %dma_start3A_78 : memref<1x2x100xi32, #tpu.memory_space<vmem>> -> memref<2x100xi32, #tpu.memory_space<vmem>>
      %dma_start3A_80 = arith.constant 0 : i32
      %dma_start3A_81 = arith.constant 0 : i32
      %dma_start3A_82 = tpu.memref_slice %arg3[%add3A, %run_scoped3A, %dma_start3A_80, %dma_start3A_81] : memref<32x100x2x100xi32, #tpu.memory_space<hbm>> -> memref<1x1x2x100xi32, #tpu.memory_space<hbm>>
      %dma_start3A_83 = tpu.memref_squeeze %dma_start3A_82 : memref<1x1x2x100xi32, #tpu.memory_space<hbm>> -> memref<2x100xi32, #tpu.memory_space<hbm>>
      tpu.enqueue_dma source(%dma_start3A_83 : memref<2x100xi32, #tpu.memory_space<hbm>>) target(%dma_start3A_79 : memref<2x100xi32, #tpu.memory_space<vmem>>) target_semaphore(%run_scoped3A_67 : memref<!tpu.dma_semaphore, #tpu.memory_space<semaphore_mem>>)
      %dma_wait3A_84 = arith.constant 0 : i32
      %dma_wait3A_85 = arith.constant 0 : i32
      %dma_wait3A_86 = tpu.memref_slice %arg6[%run_scoped3A_8, %dma_wait3A_84, %dma_wait3A_85] : memref<4x2x100xi32, #tpu.memory_space<vmem>> -> memref<1x2x100xi32, #tpu.memory_space<vmem>>
      %dma_wait3A_87 = tpu.memref_squeeze %dma_wait3A_86 : memref<1x2x100xi32, #tpu.memory_space<vmem>> -> memref<2x100xi32, #tpu.memory_space<vmem>>
      %dma_wait3A_88 = arith.constant 0 : i32
      %dma_wait3A_89 = arith.constant 0 : i32
      %dma_wait3A_90 = tpu.memref_slice %arg3[%add3A, %run_scoped3A, %dma_wait3A_88, %dma_wait3A_89] : memref<32x100x2x100xi32, #tpu.memory_space<hbm>> -> memref<1x1x2x100xi32, #tpu.memory_space<hbm>>
      %dma_wait3A_91 = tpu.memref_squeeze %dma_wait3A_90 : memref<1x1x2x100xi32, #tpu.memory_space<hbm>> -> memref<2x100xi32, #tpu.memory_space<hbm>>
      %dma_wait3A_92 = arith.constant 0 : i32
      %dma_wait3A_93 = arith.constant 0 : i32
      %dma_wait3A_94 = tpu.memref_slice %arg6[%run_scoped3A_8, %dma_wait3A_92, %dma_wait3A_93] : memref<4x2x100xi32, #tpu.memory_space<vmem>> -> memref<1x2x100xi32, #tpu.memory_space<vmem>>
      %dma_wait3A_95 = tpu.memref_squeeze %dma_wait3A_94 : memref<1x2x100xi32, #tpu.memory_space<vmem>> -> memref<2x100xi32, #tpu.memory_space<vmem>>
      %dma_wait3A_96 = arith.constant 0 : i32
      %dma_wait3A_97 = arith.constant 0 : i32
      %dma_wait3A_98 = tpu.memref_slice %arg3[%add3A, %run_scoped3A, %dma_wait3A_96, %dma_wait3A_97] : memref<32x100x2x100xi32, #tpu.memory_space<hbm>> -> memref<1x1x2x100xi32, #tpu.memory_space<hbm>>
      %dma_wait3A_99 = tpu.memref_squeeze %dma_wait3A_98 : memref<1x1x2x100xi32, #tpu.memory_space<hbm>> -> memref<2x100xi32, #tpu.memory_space<hbm>>
      tpu.wait_dma2 semaphore(%run_scoped3A_67 : memref<!tpu.dma_semaphore, #tpu.memory_space<semaphore_mem>>) src(%dma_wait3A_99 : memref<2x100xi32, #tpu.memory_space<hbm>>) dst(%dma_wait3A_95 : memref<2x100xi32, #tpu.memory_space<vmem>>)
      tpu.yield
    }) : () -> ()
    %dma_start3A_9 = arith.constant 0 : i32
    %dma_start3A_10 = arith.constant 0 : i32
    %dma_start3A_11 = arith.constant 0 : i32
    %dma_start3A_12 = arith.constant 0 : i32
    %dma_start3A_13 = arith.constant 0 : i32
    %dma_start3A_14 = tpu.memref_slice %arg7[%dma_start3A_11, %dma_start3A_12, %dma_start3A_13] : memref<2x100x128xf32, #tpu.memory_space<vmem>> -> memref<1x100x128xf32, #tpu.memory_space<vmem>>
    %dma_start3A_15 = tpu.memref_squeeze %dma_start3A_14 : memref<1x100x128xf32, #tpu.memory_space<vmem>> -> memref<100x128xf32, #tpu.memory_space<vmem>>
    %dma_start3A_16 = arith.constant 0 : i32
    %dma_start3A_17 = tpu.memref_slice %arg6[%dma_start3A_9, %dma_start3A_10, %dma_start3A_16] : memref<4x2x100xi32, #tpu.memory_space<vmem>> -> memref<1x1x100xi32, #tpu.memory_space<vmem>>
    %dma_start3A_18 = tpu.memref_squeeze %dma_start3A_17 : memref<1x1x100xi32, #tpu.memory_space<vmem>> -> memref<100xi32, #tpu.memory_space<vmem>>
    %dma_start3A_19 = arith.constant 0 : i32
    %dma_start3A_20 = arith.constant 0 : i32
    %dma_start3A_21 = tpu.memref_slice %arg2[%dma_start3A_19, %dma_start3A_20] : memref<10000x128xf32, #tpu.memory_space<hbm>> -> memref<10000x128xf32, #tpu.memory_space<hbm>>
    tpu.enqueue_indirect_dma source(%dma_start3A_21 : memref<10000x128xf32, #tpu.memory_space<hbm>>) target(%dma_start3A_15 : memref<100x128xf32, #tpu.memory_space<vmem>>) offsets(%dma_start3A_18 : memref<100xi32, #tpu.memory_space<vmem>>) semaphore(%arg9 : memref<!tpu.dma_semaphore, #tpu.memory_space<semaphore_mem>>)
    %dma_start3A_22 = arith.constant 1 : i32
    %dma_start3A_23 = arith.constant 1 : i32
    %dma_start3A_24 = arith.constant 0 : i32
    %dma_start3A_25 = arith.constant 0 : i32
    %dma_start3A_26 = tpu.memref_slice %arg6[%dma_start3A_23, %dma_start3A_24, %dma_start3A_25] : memref<4x2x100xi32, #tpu.memory_space<vmem>> -> memref<1x2x100xi32, #tpu.memory_space<vmem>>
    %dma_start3A_27 = tpu.memref_squeeze %dma_start3A_26 : memref<1x2x100xi32, #tpu.memory_space<vmem>> -> memref<2x100xi32, #tpu.memory_space<vmem>>
    %dma_start3A_28 = arith.constant 0 : i32
    %dma_start3A_29 = arith.constant 0 : i32
    %dma_start3A_30 = tpu.memref_slice %arg3[%add3A, %dma_start3A_22, %dma_start3A_28, %dma_start3A_29] : memref<32x100x2x100xi32, #tpu.memory_space<hbm>> -> memref<1x1x2x100xi32, #tpu.memory_space<hbm>>
    %dma_start3A_31 = tpu.memref_squeeze %dma_start3A_30 : memref<1x1x2x100xi32, #tpu.memory_space<hbm>> -> memref<2x100xi32, #tpu.memory_space<hbm>>
    %dma_start3A_32 = arith.constant 0 : i32
    %dma_start3A_33 = arith.constant 0 : i32
    %dma_start3A_34 = tpu.memref_slice %arg6[%dma_start3A_23, %dma_start3A_32, %dma_start3A_33] : memref<4x2x100xi32, #tpu.memory_space<vmem>> -> memref<1x2x100xi32, #tpu.memory_space<vmem>>
    %dma_start3A_35 = tpu.memref_squeeze %dma_start3A_34 : memref<1x2x100xi32, #tpu.memory_space<vmem>> -> memref<2x100xi32, #tpu.memory_space<vmem>>
    %dma_start3A_36 = arith.constant 0 : i32
    %dma_start3A_37 = arith.constant 0 : i32
    %dma_start3A_38 = tpu.memref_slice %arg3[%add3A, %dma_start3A_22, %dma_start3A_36, %dma_start3A_37] : memref<32x100x2x100xi32, #tpu.memory_space<hbm>> -> memref<1x1x2x100xi32, #tpu.memory_space<hbm>>
    %dma_start3A_39 = tpu.memref_squeeze %dma_start3A_38 : memref<1x1x2x100xi32, #tpu.memory_space<hbm>> -> memref<2x100xi32, #tpu.memory_space<hbm>>
    tpu.enqueue_dma source(%dma_start3A_39 : memref<2x100xi32, #tpu.memory_space<hbm>>) target(%dma_start3A_35 : memref<2x100xi32, #tpu.memory_space<vmem>>) target_semaphore(%arg14 : memref<!tpu.dma_semaphore, #tpu.memory_space<semaphore_mem>>)
    %dma_wait3A = arith.constant 0 : i32
    %dma_wait3A_40 = tpu.memref_slice %arg8[%mul3A_4, %dma_wait3A] : memref<10112x128xf32, #tpu.memory_space<vmem_shared>> -> memref<632x128xf32, #tpu.memory_space<vmem_shared>>
    %dma_wait3A_41 = arith.constant 0 : i32
    %dma_wait3A_42 = tpu.memref_slice %arg4[%mul3A_2, %dma_wait3A_41] : memref<10112x128xf32, #tpu.memory_space<hbm>> -> memref<632x128xf32, #tpu.memory_space<hbm>>
    tpu.wait_dma2 semaphore(%arg17 : memref<!tpu.dma_semaphore, #tpu.memory_space<semaphore_mem>>) src(%dma_wait3A_42 : memref<632x128xf32, #tpu.memory_space<hbm>>) dst(%dma_wait3A_40 : memref<632x128xf32, #tpu.memory_space<vmem_shared>>)
    %barrier3A = arith.constant 0 : index
    tpu.barrier barrier_id(%barrier3A)
    %scan3A = arith.constant 0 : i32
    %scan3A_43 = arith.constant 0 : i32
    %scan3A_44 = arith.constant 25 : i32
    %scan3A_45 = arith.addi %scan3A_43, %scan3A_44 : i32
    %scan3A_46 = arith.constant 1 : i32
    %scan3A_47 = scf.for %scan3A_67 = %scan3A_43 to %scan3A_45 step %scan3A_46 iter_args(%scan3A_68 = %scan3A) -> (i32)  : i32 {
      %mul3A_69 = arith.constant 4 : i32
      %mul3A_70 = arith.muli %mul3A_69, %scan3A_67 : i32
      %add3A_71 = arith.constant 0 : i32
      %add3A_72 = arith.addi %mul3A_70, %add3A_71 : i32
      %gt3A = arith.constant 0 : i32
      %gt3A_73 = arith.cmpi sgt, %scan3A_67, %gt3A : i32
      %convert_element_type3A = arith.extui %gt3A_73 : i1 to i32
      %cond3A = arith.constant 0 : i32
      %cond3A_74 = arith.cmpi ne, %convert_element_type3A, %cond3A : i32
      scf.if %cond3A_74 {
        %dma_wait3A_286 = arith.constant 1 : i32
        %dma_wait3A_287 = arith.constant 3 : i32
        %dma_wait3A_288 = arith.constant 1 : i32
        %dma_wait3A_289 = arith.constant 0 : i32
        %dma_wait3A_290 = arith.constant 0 : i32
        %dma_wait3A_291 = tpu.memref_slice %arg7[%dma_wait3A_286, %dma_wait3A_289, %dma_wait3A_290] : memref<2x100x128xf32, #tpu.memory_space<vmem>> -> memref<1x100x128xf32, #tpu.memory_space<vmem>>
        %dma_wait3A_292 = tpu.memref_squeeze %dma_wait3A_291 : memref<1x100x128xf32, #tpu.memory_space<vmem>> -> memref<100x128xf32, #tpu.memory_space<vmem>>
        %dma_wait3A_293 = arith.constant 0 : i32
        %dma_wait3A_294 = tpu.memref_slice %arg6[%dma_wait3A_287, %dma_wait3A_288, %dma_wait3A_293] : memref<4x2x100xi32, #tpu.memory_space<vmem>> -> memref<1x1x100xi32, #tpu.memory_space<vmem>>
        %dma_wait3A_295 = tpu.memref_squeeze %dma_wait3A_294 : memref<1x1x100xi32, #tpu.memory_space<vmem>> -> memref<100xi32, #tpu.memory_space<vmem>>
        %dma_wait3A_296 = arith.constant 0 : i32
        %dma_wait3A_297 = arith.constant 0 : i32
        %dma_wait3A_298 = tpu.memref_slice %arg8[%dma_wait3A_296, %dma_wait3A_297] : memref<10112x128xf32, #tpu.memory_space<vmem_shared>> -> memref<10112x128xf32, #tpu.memory_space<vmem_shared>>
        tpu.wait_indirect_dma semaphore(%arg12 : memref<!tpu.dma_semaphore, #tpu.memory_space<semaphore_mem>>) src(%dma_wait3A_292 : memref<100x128xf32, #tpu.memory_space<vmem>>) dst(%dma_wait3A_298 : memref<10112x128xf32, #tpu.memory_space<vmem_shared>>)
      } else {
      }
      %add3A_75 = arith.constant 1 : i32
      %add3A_76 = arith.addi %add3A_72, %add3A_75 : i32
      %lt3A = arith.constant 100 : i32
      %lt3A_77 = arith.cmpi slt, %add3A_76, %lt3A : i32
      %convert_element_type3A_78 = arith.extui %lt3A_77 : i1 to i32
      %cond3A_79 = arith.constant 0 : i32
      %cond3A_80 = arith.cmpi ne, %convert_element_type3A_78, %cond3A_79 : i32
      scf.if %cond3A_80 {
        %add3A_286 = arith.constant 1 : i32
        %add3A_287 = arith.addi %add3A_72, %add3A_286 : i32
        %dma_wait3A_288 = arith.constant 1 : i32
        %dma_wait3A_289 = arith.constant 0 : i32
        %dma_wait3A_290 = arith.constant 0 : i32
        %dma_wait3A_291 = tpu.memref_slice %arg6[%dma_wait3A_288, %dma_wait3A_289, %dma_wait3A_290] : memref<4x2x100xi32, #tpu.memory_space<vmem>> -> memref<1x2x100xi32, #tpu.memory_space<vmem>>
        %dma_wait3A_292 = tpu.memref_squeeze %dma_wait3A_291 : memref<1x2x100xi32, #tpu.memory_space<vmem>> -> memref<2x100xi32, #tpu.memory_space<vmem>>
        %dma_wait3A_293 = arith.constant 0 : i32
        %dma_wait3A_294 = arith.constant 0 : i32
        %dma_wait3A_295 = tpu.memref_slice %arg3[%add3A, %add3A_287, %dma_wait3A_293, %dma_wait3A_294] : memref<32x100x2x100xi32, #tpu.memory_space<hbm>> -> memref<1x1x2x100xi32, #tpu.memory_space<hbm>>
        %dma_wait3A_296 = tpu.memref_squeeze %dma_wait3A_295 : memref<1x1x2x100xi32, #tpu.memory_space<hbm>> -> memref<2x100xi32, #tpu.memory_space<hbm>>
        %dma_wait3A_297 = arith.constant 0 : i32
        %dma_wait3A_298 = arith.constant 0 : i32
        %dma_wait3A_299 = tpu.memref_slice %arg6[%dma_wait3A_288, %dma_wait3A_297, %dma_wait3A_298] : memref<4x2x100xi32, #tpu.memory_space<vmem>> -> memref<1x2x100xi32, #tpu.memory_space<vmem>>
        %dma_wait3A_300 = tpu.memref_squeeze %dma_wait3A_299 : memref<1x2x100xi32, #tpu.memory_space<vmem>> -> memref<2x100xi32, #tpu.memory_space<vmem>>
        %dma_wait3A_301 = arith.constant 0 : i32
        %dma_wait3A_302 = arith.constant 0 : i32
        %dma_wait3A_303 = tpu.memref_slice %arg3[%add3A, %add3A_287, %dma_wait3A_301, %dma_wait3A_302] : memref<32x100x2x100xi32, #tpu.memory_space<hbm>> -> memref<1x1x2x100xi32, #tpu.memory_space<hbm>>
        %dma_wait3A_304 = tpu.memref_squeeze %dma_wait3A_303 : memref<1x1x2x100xi32, #tpu.memory_space<hbm>> -> memref<2x100xi32, #tpu.memory_space<hbm>>
        tpu.wait_dma2 semaphore(%arg14 : memref<!tpu.dma_semaphore, #tpu.memory_space<semaphore_mem>>) src(%dma_wait3A_304 : memref<2x100xi32, #tpu.memory_space<hbm>>) dst(%dma_wait3A_300 : memref<2x100xi32, #tpu.memory_space<vmem>>)
        %dma_start3A_305 = arith.constant 1 : i32
        %dma_start3A_306 = arith.constant 0 : i32
        %dma_start3A_307 = arith.constant 1 : i32
        %dma_start3A_308 = arith.constant 0 : i32
        %dma_start3A_309 = arith.constant 0 : i32
        %dma_start3A_310 = tpu.memref_slice %arg7[%dma_start3A_307, %dma_start3A_308, %dma_start3A_309] : memref<2x100x128xf32, #tpu.memory_space<vmem>> -> memref<1x100x128xf32, #tpu.memory_space<vmem>>
        %dma_start3A_311 = tpu.memref_squeeze %dma_start3A_310 : memref<1x100x128xf32, #tpu.memory_space<vmem>> -> memref<100x128xf32, #tpu.memory_space<vmem>>
        %dma_start3A_312 = arith.constant 0 : i32
        %dma_start3A_313 = tpu.memref_slice %arg6[%dma_start3A_305, %dma_start3A_306, %dma_start3A_312] : memref<4x2x100xi32, #tpu.memory_space<vmem>> -> memref<1x1x100xi32, #tpu.memory_space<vmem>>
        %dma_start3A_314 = tpu.memref_squeeze %dma_start3A_313 : memref<1x1x100xi32, #tpu.memory_space<vmem>> -> memref<100xi32, #tpu.memory_space<vmem>>
        %dma_start3A_315 = arith.constant 0 : i32
        %dma_start3A_316 = arith.constant 0 : i32
        %dma_start3A_317 = tpu.memref_slice %arg2[%dma_start3A_315, %dma_start3A_316] : memref<10000x128xf32, #tpu.memory_space<hbm>> -> memref<10000x128xf32, #tpu.memory_space<hbm>>
        tpu.enqueue_indirect_dma source(%dma_start3A_317 : memref<10000x128xf32, #tpu.memory_space<hbm>>) target(%dma_start3A_311 : memref<100x128xf32, #tpu.memory_space<vmem>>) offsets(%dma_start3A_314 : memref<100xi32, #tpu.memory_space<vmem>>) semaphore(%arg10 : memref<!tpu.dma_semaphore, #tpu.memory_space<semaphore_mem>>)
      } else {
      }
      %dma_wait3A_81 = arith.constant 0 : i32
      %dma_wait3A_82 = arith.constant 0 : i32
      %dma_wait3A_83 = arith.constant 0 : i32
      %dma_wait3A_84 = arith.constant 0 : i32
      %dma_wait3A_85 = arith.constant 0 : i32
      %dma_wait3A_86 = tpu.memref_slice %arg7[%dma_wait3A_83, %dma_wait3A_84, %dma_wait3A_85] : memref<2x100x128xf32, #tpu.memory_space<vmem>> -> memref<1x100x128xf32, #tpu.memory_space<vmem>>
      %dma_wait3A_87 = tpu.memref_squeeze %dma_wait3A_86 : memref<1x100x128xf32, #tpu.memory_space<vmem>> -> memref<100x128xf32, #tpu.memory_space<vmem>>
      %dma_wait3A_88 = arith.constant 0 : i32
      %dma_wait3A_89 = tpu.memref_slice %arg6[%dma_wait3A_81, %dma_wait3A_82, %dma_wait3A_88] : memref<4x2x100xi32, #tpu.memory_space<vmem>> -> memref<1x1x100xi32, #tpu.memory_space<vmem>>
      %dma_wait3A_90 = tpu.memref_squeeze %dma_wait3A_89 : memref<1x1x100xi32, #tpu.memory_space<vmem>> -> memref<100xi32, #tpu.memory_space<vmem>>
      %dma_wait3A_91 = arith.constant 0 : i32
      %dma_wait3A_92 = arith.constant 0 : i32
      %dma_wait3A_93 = tpu.memref_slice %arg2[%dma_wait3A_91, %dma_wait3A_92] : memref<10000x128xf32, #tpu.memory_space<hbm>> -> memref<10000x128xf32, #tpu.memory_space<hbm>>
      tpu.wait_indirect_dma semaphore(%arg9 : memref<!tpu.dma_semaphore, #tpu.memory_space<semaphore_mem>>) src(%dma_wait3A_93 : memref<10000x128xf32, #tpu.memory_space<hbm>>) dst(%dma_wait3A_87 : memref<100x128xf32, #tpu.memory_space<vmem>>)
      %dma_start3A_94 = arith.constant 0 : i32
      %dma_start3A_95 = arith.constant 0 : i32
      %dma_start3A_96 = arith.constant 1 : i32
      %dma_start3A_97 = arith.constant 0 : i32
      %dma_start3A_98 = arith.constant 0 : i32
      %dma_start3A_99 = tpu.memref_slice %arg7[%dma_start3A_94, %dma_start3A_97, %dma_start3A_98] : memref<2x100x128xf32, #tpu.memory_space<vmem>> -> memref<1x100x128xf32, #tpu.memory_space<vmem>>
      %dma_start3A_100 = tpu.memref_squeeze %dma_start3A_99 : memref<1x100x128xf32, #tpu.memory_space<vmem>> -> memref<100x128xf32, #tpu.memory_space<vmem>>
      %dma_start3A_101 = arith.constant 0 : i32
      %dma_start3A_102 = tpu.memref_slice %arg6[%dma_start3A_95, %dma_start3A_96, %dma_start3A_101] : memref<4x2x100xi32, #tpu.memory_space<vmem>> -> memref<1x1x100xi32, #tpu.memory_space<vmem>>
      %dma_start3A_103 = tpu.memref_squeeze %dma_start3A_102 : memref<1x1x100xi32, #tpu.memory_space<vmem>> -> memref<100xi32, #tpu.memory_space<vmem>>
      %dma_start3A_104 = arith.constant 0 : i32
      %dma_start3A_105 = arith.constant 0 : i32
      %dma_start3A_106 = tpu.memref_slice %arg8[%dma_start3A_104, %dma_start3A_105] : memref<10112x128xf32, #tpu.memory_space<vmem_shared>> -> memref<10112x128xf32, #tpu.memory_space<vmem_shared>>
      tpu.enqueue_indirect_dma source(%dma_start3A_100 : memref<100x128xf32, #tpu.memory_space<vmem>>) target(%dma_start3A_106 : memref<10112x128xf32, #tpu.memory_space<vmem_shared>>) offsets(%dma_start3A_103 : memref<100xi32, #tpu.memory_space<vmem>>) semaphore(%arg11 : memref<!tpu.dma_semaphore, #tpu.memory_space<semaphore_mem>>) {add = true}
      %add3A_107 = arith.constant 2 : i32
      %add3A_108 = arith.addi %add3A_72, %add3A_107 : i32
      %lt3A_109 = arith.constant 100 : i32
      %lt3A_110 = arith.cmpi slt, %add3A_108, %lt3A_109 : i32
      %convert_element_type3A_111 = arith.extui %lt3A_110 : i1 to i32
      %cond3A_112 = arith.constant 0 : i32
      %cond3A_113 = arith.cmpi ne, %convert_element_type3A_111, %cond3A_112 : i32
      scf.if %cond3A_113 {
        %add3A_286 = arith.constant 2 : i32
        %add3A_287 = arith.addi %add3A_72, %add3A_286 : i32
        %dma_start3A_288 = arith.constant 2 : i32
        %dma_start3A_289 = arith.constant 0 : i32
        %dma_start3A_290 = arith.constant 0 : i32
        %dma_start3A_291 = tpu.memref_slice %arg6[%dma_start3A_288, %dma_start3A_289, %dma_start3A_290] : memref<4x2x100xi32, #tpu.memory_space<vmem>> -> memref<1x2x100xi32, #tpu.memory_space<vmem>>
        %dma_start3A_292 = tpu.memref_squeeze %dma_start3A_291 : memref<1x2x100xi32, #tpu.memory_space<vmem>> -> memref<2x100xi32, #tpu.memory_space<vmem>>
        %dma_start3A_293 = arith.constant 0 : i32
        %dma_start3A_294 = arith.constant 0 : i32
        %dma_start3A_295 = tpu.memref_slice %arg3[%add3A, %add3A_287, %dma_start3A_293, %dma_start3A_294] : memref<32x100x2x100xi32, #tpu.memory_space<hbm>> -> memref<1x1x2x100xi32, #tpu.memory_space<hbm>>
        %dma_start3A_296 = tpu.memref_squeeze %dma_start3A_295 : memref<1x1x2x100xi32, #tpu.memory_space<hbm>> -> memref<2x100xi32, #tpu.memory_space<hbm>>
        %dma_start3A_297 = arith.constant 0 : i32
        %dma_start3A_298 = arith.constant 0 : i32
        %dma_start3A_299 = tpu.memref_slice %arg6[%dma_start3A_288, %dma_start3A_297, %dma_start3A_298] : memref<4x2x100xi32, #tpu.memory_space<vmem>> -> memref<1x2x100xi32, #tpu.memory_space<vmem>>
        %dma_start3A_300 = tpu.memref_squeeze %dma_start3A_299 : memref<1x2x100xi32, #tpu.memory_space<vmem>> -> memref<2x100xi32, #tpu.memory_space<vmem>>
        %dma_start3A_301 = arith.constant 0 : i32
        %dma_start3A_302 = arith.constant 0 : i32
        %dma_start3A_303 = tpu.memref_slice %arg3[%add3A, %add3A_287, %dma_start3A_301, %dma_start3A_302] : memref<32x100x2x100xi32, #tpu.memory_space<hbm>> -> memref<1x1x2x100xi32, #tpu.memory_space<hbm>>
        %dma_start3A_304 = tpu.memref_squeeze %dma_start3A_303 : memref<1x1x2x100xi32, #tpu.memory_space<hbm>> -> memref<2x100xi32, #tpu.memory_space<hbm>>
        tpu.enqueue_dma source(%dma_start3A_304 : memref<2x100xi32, #tpu.memory_space<hbm>>) target(%dma_start3A_300 : memref<2x100xi32, #tpu.memory_space<vmem>>) target_semaphore(%arg15 : memref<!tpu.dma_semaphore, #tpu.memory_space<semaphore_mem>>)
      } else {
      }
      %mul3A_114 = arith.constant 4 : i32
      %mul3A_115 = arith.muli %mul3A_114, %scan3A_67 : i32
      %add3A_116 = arith.constant 1 : i32
      %add3A_117 = arith.addi %mul3A_115, %add3A_116 : i32
      %dma_wait3A_118 = arith.constant 0 : i32
      %dma_wait3A_119 = arith.constant 0 : i32
      %dma_wait3A_120 = arith.constant 1 : i32
      %dma_wait3A_121 = arith.constant 0 : i32
      %dma_wait3A_122 = arith.constant 0 : i32
      %dma_wait3A_123 = tpu.memref_slice %arg7[%dma_wait3A_118, %dma_wait3A_121, %dma_wait3A_122] : memref<2x100x128xf32, #tpu.memory_space<vmem>> -> memref<1x100x128xf32, #tpu.memory_space<vmem>>
      %dma_wait3A_124 = tpu.memref_squeeze %dma_wait3A_123 : memref<1x100x128xf32, #tpu.memory_space<vmem>> -> memref<100x128xf32, #tpu.memory_space<vmem>>
      %dma_wait3A_125 = arith.constant 0 : i32
      %dma_wait3A_126 = tpu.memref_slice %arg6[%dma_wait3A_119, %dma_wait3A_120, %dma_wait3A_125] : memref<4x2x100xi32, #tpu.memory_space<vmem>> -> memref<1x1x100xi32, #tpu.memory_space<vmem>>
      %dma_wait3A_127 = tpu.memref_squeeze %dma_wait3A_126 : memref<1x1x100xi32, #tpu.memory_space<vmem>> -> memref<100xi32, #tpu.memory_space<vmem>>
      %dma_wait3A_128 = arith.constant 0 : i32
      %dma_wait3A_129 = arith.constant 0 : i32
      %dma_wait3A_130 = tpu.memref_slice %arg8[%dma_wait3A_128, %dma_wait3A_129] : memref<10112x128xf32, #tpu.memory_space<vmem_shared>> -> memref<10112x128xf32, #tpu.memory_space<vmem_shared>>
      tpu.wait_indirect_dma semaphore(%arg11 : memref<!tpu.dma_semaphore, #tpu.memory_space<semaphore_mem>>) src(%dma_wait3A_124 : memref<100x128xf32, #tpu.memory_space<vmem>>) dst(%dma_wait3A_130 : memref<10112x128xf32, #tpu.memory_space<vmem_shared>>)
      %add3A_131 = arith.constant 1 : i32
      %add3A_132 = arith.addi %add3A_117, %add3A_131 : i32
      %lt3A_133 = arith.constant 100 : i32
      %lt3A_134 = arith.cmpi slt, %add3A_132, %lt3A_133 : i32
      %convert_element_type3A_135 = arith.extui %lt3A_134 : i1 to i32
      %cond3A_136 = arith.constant 0 : i32
      %cond3A_137 = arith.cmpi ne, %convert_element_type3A_135, %cond3A_136 : i32
      scf.if %cond3A_137 {
        %add3A_286 = arith.constant 1 : i32
        %add3A_287 = arith.addi %add3A_117, %add3A_286 : i32
        %dma_wait3A_288 = arith.constant 2 : i32
        %dma_wait3A_289 = arith.constant 0 : i32
        %dma_wait3A_290 = arith.constant 0 : i32
        %dma_wait3A_291 = tpu.memref_slice %arg6[%dma_wait3A_288, %dma_wait3A_289, %dma_wait3A_290] : memref<4x2x100xi32, #tpu.memory_space<vmem>> -> memref<1x2x100xi32, #tpu.memory_space<vmem>>
        %dma_wait3A_292 = tpu.memref_squeeze %dma_wait3A_291 : memref<1x2x100xi32, #tpu.memory_space<vmem>> -> memref<2x100xi32, #tpu.memory_space<vmem>>
        %dma_wait3A_293 = arith.constant 0 : i32
        %dma_wait3A_294 = arith.constant 0 : i32
        %dma_wait3A_295 = tpu.memref_slice %arg3[%add3A, %add3A_287, %dma_wait3A_293, %dma_wait3A_294] : memref<32x100x2x100xi32, #tpu.memory_space<hbm>> -> memref<1x1x2x100xi32, #tpu.memory_space<hbm>>
        %dma_wait3A_296 = tpu.memref_squeeze %dma_wait3A_295 : memref<1x1x2x100xi32, #tpu.memory_space<hbm>> -> memref<2x100xi32, #tpu.memory_space<hbm>>
        %dma_wait3A_297 = arith.constant 0 : i32
        %dma_wait3A_298 = arith.constant 0 : i32
        %dma_wait3A_299 = tpu.memref_slice %arg6[%dma_wait3A_288, %dma_wait3A_297, %dma_wait3A_298] : memref<4x2x100xi32, #tpu.memory_space<vmem>> -> memref<1x2x100xi32, #tpu.memory_space<vmem>>
        %dma_wait3A_300 = tpu.memref_squeeze %dma_wait3A_299 : memref<1x2x100xi32, #tpu.memory_space<vmem>> -> memref<2x100xi32, #tpu.memory_space<vmem>>
        %dma_wait3A_301 = arith.constant 0 : i32
        %dma_wait3A_302 = arith.constant 0 : i32
        %dma_wait3A_303 = tpu.memref_slice %arg3[%add3A, %add3A_287, %dma_wait3A_301, %dma_wait3A_302] : memref<32x100x2x100xi32, #tpu.memory_space<hbm>> -> memref<1x1x2x100xi32, #tpu.memory_space<hbm>>
        %dma_wait3A_304 = tpu.memref_squeeze %dma_wait3A_303 : memref<1x1x2x100xi32, #tpu.memory_space<hbm>> -> memref<2x100xi32, #tpu.memory_space<hbm>>
        tpu.wait_dma2 semaphore(%arg15 : memref<!tpu.dma_semaphore, #tpu.memory_space<semaphore_mem>>) src(%dma_wait3A_304 : memref<2x100xi32, #tpu.memory_space<hbm>>) dst(%dma_wait3A_300 : memref<2x100xi32, #tpu.memory_space<vmem>>)
        %dma_start3A_305 = arith.constant 2 : i32
        %dma_start3A_306 = arith.constant 0 : i32
        %dma_start3A_307 = arith.constant 0 : i32
        %dma_start3A_308 = arith.constant 0 : i32
        %dma_start3A_309 = arith.constant 0 : i32
        %dma_start3A_310 = tpu.memref_slice %arg7[%dma_start3A_307, %dma_start3A_308, %dma_start3A_309] : memref<2x100x128xf32, #tpu.memory_space<vmem>> -> memref<1x100x128xf32, #tpu.memory_space<vmem>>
        %dma_start3A_311 = tpu.memref_squeeze %dma_start3A_310 : memref<1x100x128xf32, #tpu.memory_space<vmem>> -> memref<100x128xf32, #tpu.memory_space<vmem>>
        %dma_start3A_312 = arith.constant 0 : i32
        %dma_start3A_313 = tpu.memref_slice %arg6[%dma_start3A_305, %dma_start3A_306, %dma_start3A_312] : memref<4x2x100xi32, #tpu.memory_space<vmem>> -> memref<1x1x100xi32, #tpu.memory_space<vmem>>
        %dma_start3A_314 = tpu.memref_squeeze %dma_start3A_313 : memref<1x1x100xi32, #tpu.memory_space<vmem>> -> memref<100xi32, #tpu.memory_space<vmem>>
        %dma_start3A_315 = arith.constant 0 : i32
        %dma_start3A_316 = arith.constant 0 : i32
        %dma_start3A_317 = tpu.memref_slice %arg2[%dma_start3A_315, %dma_start3A_316] : memref<10000x128xf32, #tpu.memory_space<hbm>> -> memref<10000x128xf32, #tpu.memory_space<hbm>>
        tpu.enqueue_indirect_dma source(%dma_start3A_317 : memref<10000x128xf32, #tpu.memory_space<hbm>>) target(%dma_start3A_311 : memref<100x128xf32, #tpu.memory_space<vmem>>) offsets(%dma_start3A_314 : memref<100xi32, #tpu.memory_space<vmem>>) semaphore(%arg9 : memref<!tpu.dma_semaphore, #tpu.memory_space<semaphore_mem>>)
      } else {
      }
      %dma_wait3A_138 = arith.constant 1 : i32
      %dma_wait3A_139 = arith.constant 0 : i32
      %dma_wait3A_140 = arith.constant 1 : i32
      %dma_wait3A_141 = arith.constant 0 : i32
      %dma_wait3A_142 = arith.constant 0 : i32
      %dma_wait3A_143 = tpu.memref_slice %arg7[%dma_wait3A_140, %dma_wait3A_141, %dma_wait3A_142] : memref<2x100x128xf32, #tpu.memory_space<vmem>> -> memref<1x100x128xf32, #tpu.memory_space<vmem>>
      %dma_wait3A_144 = tpu.memref_squeeze %dma_wait3A_143 : memref<1x100x128xf32, #tpu.memory_space<vmem>> -> memref<100x128xf32, #tpu.memory_space<vmem>>
      %dma_wait3A_145 = arith.constant 0 : i32
      %dma_wait3A_146 = tpu.memref_slice %arg6[%dma_wait3A_138, %dma_wait3A_139, %dma_wait3A_145] : memref<4x2x100xi32, #tpu.memory_space<vmem>> -> memref<1x1x100xi32, #tpu.memory_space<vmem>>
      %dma_wait3A_147 = tpu.memref_squeeze %dma_wait3A_146 : memref<1x1x100xi32, #tpu.memory_space<vmem>> -> memref<100xi32, #tpu.memory_space<vmem>>
      %dma_wait3A_148 = arith.constant 0 : i32
      %dma_wait3A_149 = arith.constant 0 : i32
      %dma_wait3A_150 = tpu.memref_slice %arg2[%dma_wait3A_148, %dma_wait3A_149] : memref<10000x128xf32, #tpu.memory_space<hbm>> -> memref<10000x128xf32, #tpu.memory_space<hbm>>
      tpu.wait_indirect_dma semaphore(%arg10 : memref<!tpu.dma_semaphore, #tpu.memory_space<semaphore_mem>>) src(%dma_wait3A_150 : memref<10000x128xf32, #tpu.memory_space<hbm>>) dst(%dma_wait3A_144 : memref<100x128xf32, #tpu.memory_space<vmem>>)
      %dma_start3A_151 = arith.constant 1 : i32
      %dma_start3A_152 = arith.constant 1 : i32
      %dma_start3A_153 = arith.constant 1 : i32
      %dma_start3A_154 = arith.constant 0 : i32
      %dma_start3A_155 = arith.constant 0 : i32
      %dma_start3A_156 = tpu.memref_slice %arg7[%dma_start3A_151, %dma_start3A_154, %dma_start3A_155] : memref<2x100x128xf32, #tpu.memory_space<vmem>> -> memref<1x100x128xf32, #tpu.memory_space<vmem>>
      %dma_start3A_157 = tpu.memref_squeeze %dma_start3A_156 : memref<1x100x128xf32, #tpu.memory_space<vmem>> -> memref<100x128xf32, #tpu.memory_space<vmem>>
      %dma_start3A_158 = arith.constant 0 : i32
      %dma_start3A_159 = tpu.memref_slice %arg6[%dma_start3A_152, %dma_start3A_153, %dma_start3A_158] : memref<4x2x100xi32, #tpu.memory_space<vmem>> -> memref<1x1x100xi32, #tpu.memory_space<vmem>>
      %dma_start3A_160 = tpu.memref_squeeze %dma_start3A_159 : memref<1x1x100xi32, #tpu.memory_space<vmem>> -> memref<100xi32, #tpu.memory_space<vmem>>
      %dma_start3A_161 = arith.constant 0 : i32
      %dma_start3A_162 = arith.constant 0 : i32
      %dma_start3A_163 = tpu.memref_slice %arg8[%dma_start3A_161, %dma_start3A_162] : memref<10112x128xf32, #tpu.memory_space<vmem_shared>> -> memref<10112x128xf32, #tpu.memory_space<vmem_shared>>
      tpu.enqueue_indirect_dma source(%dma_start3A_157 : memref<100x128xf32, #tpu.memory_space<vmem>>) target(%dma_start3A_163 : memref<10112x128xf32, #tpu.memory_space<vmem_shared>>) offsets(%dma_start3A_160 : memref<100xi32, #tpu.memory_space<vmem>>) semaphore(%arg12 : memref<!tpu.dma_semaphore, #tpu.memory_space<semaphore_mem>>) {add = true}
      %add3A_164 = arith.constant 2 : i32
      %add3A_165 = arith.addi %add3A_117, %add3A_164 : i32
      %lt3A_166 = arith.constant 100 : i32
      %lt3A_167 = arith.cmpi slt, %add3A_165, %lt3A_166 : i32
      %convert_element_type3A_168 = arith.extui %lt3A_167 : i1 to i32
      %cond3A_169 = arith.constant 0 : i32
      %cond3A_170 = arith.cmpi ne, %convert_element_type3A_168, %cond3A_169 : i32
      scf.if %cond3A_170 {
        %add3A_286 = arith.constant 2 : i32
        %add3A_287 = arith.addi %add3A_117, %add3A_286 : i32
        %dma_start3A_288 = arith.constant 3 : i32
        %dma_start3A_289 = arith.constant 0 : i32
        %dma_start3A_290 = arith.constant 0 : i32
        %dma_start3A_291 = tpu.memref_slice %arg6[%dma_start3A_288, %dma_start3A_289, %dma_start3A_290] : memref<4x2x100xi32, #tpu.memory_space<vmem>> -> memref<1x2x100xi32, #tpu.memory_space<vmem>>
        %dma_start3A_292 = tpu.memref_squeeze %dma_start3A_291 : memref<1x2x100xi32, #tpu.memory_space<vmem>> -> memref<2x100xi32, #tpu.memory_space<vmem>>
        %dma_start3A_293 = arith.constant 0 : i32
        %dma_start3A_294 = arith.constant 0 : i32
        %dma_start3A_295 = tpu.memref_slice %arg3[%add3A, %add3A_287, %dma_start3A_293, %dma_start3A_294] : memref<32x100x2x100xi32, #tpu.memory_space<hbm>> -> memref<1x1x2x100xi32, #tpu.memory_space<hbm>>
        %dma_start3A_296 = tpu.memref_squeeze %dma_start3A_295 : memref<1x1x2x100xi32, #tpu.memory_space<hbm>> -> memref<2x100xi32, #tpu.memory_space<hbm>>
        %dma_start3A_297 = arith.constant 0 : i32
        %dma_start3A_298 = arith.constant 0 : i32
        %dma_start3A_299 = tpu.memref_slice %arg6[%dma_start3A_288, %dma_start3A_297, %dma_start3A_298] : memref<4x2x100xi32, #tpu.memory_space<vmem>> -> memref<1x2x100xi32, #tpu.memory_space<vmem>>
        %dma_start3A_300 = tpu.memref_squeeze %dma_start3A_299 : memref<1x2x100xi32, #tpu.memory_space<vmem>> -> memref<2x100xi32, #tpu.memory_space<vmem>>
        %dma_start3A_301 = arith.constant 0 : i32
        %dma_start3A_302 = arith.constant 0 : i32
        %dma_start3A_303 = tpu.memref_slice %arg3[%add3A, %add3A_287, %dma_start3A_301, %dma_start3A_302] : memref<32x100x2x100xi32, #tpu.memory_space<hbm>> -> memref<1x1x2x100xi32, #tpu.memory_space<hbm>>
        %dma_start3A_304 = tpu.memref_squeeze %dma_start3A_303 : memref<1x1x2x100xi32, #tpu.memory_space<hbm>> -> memref<2x100xi32, #tpu.memory_space<hbm>>
        tpu.enqueue_dma source(%dma_start3A_304 : memref<2x100xi32, #tpu.memory_space<hbm>>) target(%dma_start3A_300 : memref<2x100xi32, #tpu.memory_space<vmem>>) target_semaphore(%arg16 : memref<!tpu.dma_semaphore, #tpu.memory_space<semaphore_mem>>)
      } else {
      }
      %mul3A_171 = arith.constant 4 : i32
      %mul3A_172 = arith.muli %mul3A_171, %scan3A_67 : i32
      %add3A_173 = arith.constant 2 : i32
      %add3A_174 = arith.addi %mul3A_172, %add3A_173 : i32
      %dma_wait3A_175 = arith.constant 1 : i32
      %dma_wait3A_176 = arith.constant 1 : i32
      %dma_wait3A_177 = arith.constant 1 : i32
      %dma_wait3A_178 = arith.constant 0 : i32
      %dma_wait3A_179 = arith.constant 0 : i32
      %dma_wait3A_180 = tpu.memref_slice %arg7[%dma_wait3A_175, %dma_wait3A_178, %dma_wait3A_179] : memref<2x100x128xf32, #tpu.memory_space<vmem>> -> memref<1x100x128xf32, #tpu.memory_space<vmem>>
      %dma_wait3A_181 = tpu.memref_squeeze %dma_wait3A_180 : memref<1x100x128xf32, #tpu.memory_space<vmem>> -> memref<100x128xf32, #tpu.memory_space<vmem>>
      %dma_wait3A_182 = arith.constant 0 : i32
      %dma_wait3A_183 = tpu.memref_slice %arg6[%dma_wait3A_176, %dma_wait3A_177, %dma_wait3A_182] : memref<4x2x100xi32, #tpu.memory_space<vmem>> -> memref<1x1x100xi32, #tpu.memory_space<vmem>>
      %dma_wait3A_184 = tpu.memref_squeeze %dma_wait3A_183 : memref<1x1x100xi32, #tpu.memory_space<vmem>> -> memref<100xi32, #tpu.memory_space<vmem>>
      %dma_wait3A_185 = arith.constant 0 : i32
      %dma_wait3A_186 = arith.constant 0 : i32
      %dma_wait3A_187 = tpu.memref_slice %arg8[%dma_wait3A_185, %dma_wait3A_186] : memref<10112x128xf32, #tpu.memory_space<vmem_shared>> -> memref<10112x128xf32, #tpu.memory_space<vmem_shared>>
      tpu.wait_indirect_dma semaphore(%arg12 : memref<!tpu.dma_semaphore, #tpu.memory_space<semaphore_mem>>) src(%dma_wait3A_181 : memref<100x128xf32, #tpu.memory_space<vmem>>) dst(%dma_wait3A_187 : memref<10112x128xf32, #tpu.memory_space<vmem_shared>>)
      %add3A_188 = arith.constant 1 : i32
      %add3A_189 = arith.addi %add3A_174, %add3A_188 : i32
      %lt3A_190 = arith.constant 100 : i32
      %lt3A_191 = arith.cmpi slt, %add3A_189, %lt3A_190 : i32
      %convert_element_type3A_192 = arith.extui %lt3A_191 : i1 to i32
      %cond3A_193 = arith.constant 0 : i32
      %cond3A_194 = arith.cmpi ne, %convert_element_type3A_192, %cond3A_193 : i32
      scf.if %cond3A_194 {
        %add3A_286 = arith.constant 1 : i32
        %add3A_287 = arith.addi %add3A_174, %add3A_286 : i32
        %dma_wait3A_288 = arith.constant 3 : i32
        %dma_wait3A_289 = arith.constant 0 : i32
        %dma_wait3A_290 = arith.constant 0 : i32
        %dma_wait3A_291 = tpu.memref_slice %arg6[%dma_wait3A_288, %dma_wait3A_289, %dma_wait3A_290] : memref<4x2x100xi32, #tpu.memory_space<vmem>> -> memref<1x2x100xi32, #tpu.memory_space<vmem>>
        %dma_wait3A_292 = tpu.memref_squeeze %dma_wait3A_291 : memref<1x2x100xi32, #tpu.memory_space<vmem>> -> memref<2x100xi32, #tpu.memory_space<vmem>>
        %dma_wait3A_293 = arith.constant 0 : i32
        %dma_wait3A_294 = arith.constant 0 : i32
        %dma_wait3A_295 = tpu.memref_slice %arg3[%add3A, %add3A_287, %dma_wait3A_293, %dma_wait3A_294] : memref<32x100x2x100xi32, #tpu.memory_space<hbm>> -> memref<1x1x2x100xi32, #tpu.memory_space<hbm>>
        %dma_wait3A_296 = tpu.memref_squeeze %dma_wait3A_295 : memref<1x1x2x100xi32, #tpu.memory_space<hbm>> -> memref<2x100xi32, #tpu.memory_space<hbm>>
        %dma_wait3A_297 = arith.constant 0 : i32
        %dma_wait3A_298 = arith.constant 0 : i32
        %dma_wait3A_299 = tpu.memref_slice %arg6[%dma_wait3A_288, %dma_wait3A_297, %dma_wait3A_298] : memref<4x2x100xi32, #tpu.memory_space<vmem>> -> memref<1x2x100xi32, #tpu.memory_space<vmem>>
        %dma_wait3A_300 = tpu.memref_squeeze %dma_wait3A_299 : memref<1x2x100xi32, #tpu.memory_space<vmem>> -> memref<2x100xi32, #tpu.memory_space<vmem>>
        %dma_wait3A_301 = arith.constant 0 : i32
        %dma_wait3A_302 = arith.constant 0 : i32
        %dma_wait3A_303 = tpu.memref_slice %arg3[%add3A, %add3A_287, %dma_wait3A_301, %dma_wait3A_302] : memref<32x100x2x100xi32, #tpu.memory_space<hbm>> -> memref<1x1x2x100xi32, #tpu.memory_space<hbm>>
        %dma_wait3A_304 = tpu.memref_squeeze %dma_wait3A_303 : memref<1x1x2x100xi32, #tpu.memory_space<hbm>> -> memref<2x100xi32, #tpu.memory_space<hbm>>
        tpu.wait_dma2 semaphore(%arg16 : memref<!tpu.dma_semaphore, #tpu.memory_space<semaphore_mem>>) src(%dma_wait3A_304 : memref<2x100xi32, #tpu.memory_space<hbm>>) dst(%dma_wait3A_300 : memref<2x100xi32, #tpu.memory_space<vmem>>)
        %dma_start3A_305 = arith.constant 3 : i32
        %dma_start3A_306 = arith.constant 0 : i32
        %dma_start3A_307 = arith.constant 1 : i32
        %dma_start3A_308 = arith.constant 0 : i32
        %dma_start3A_309 = arith.constant 0 : i32
        %dma_start3A_310 = tpu.memref_slice %arg7[%dma_start3A_307, %dma_start3A_308, %dma_start3A_309] : memref<2x100x128xf32, #tpu.memory_space<vmem>> -> memref<1x100x128xf32, #tpu.memory_space<vmem>>
        %dma_start3A_311 = tpu.memref_squeeze %dma_start3A_310 : memref<1x100x128xf32, #tpu.memory_space<vmem>> -> memref<100x128xf32, #tpu.memory_space<vmem>>
        %dma_start3A_312 = arith.constant 0 : i32
        %dma_start3A_313 = tpu.memref_slice %arg6[%dma_start3A_305, %dma_start3A_306, %dma_start3A_312] : memref<4x2x100xi32, #tpu.memory_space<vmem>> -> memref<1x1x100xi32, #tpu.memory_space<vmem>>
        %dma_start3A_314 = tpu.memref_squeeze %dma_start3A_313 : memref<1x1x100xi32, #tpu.memory_space<vmem>> -> memref<100xi32, #tpu.memory_space<vmem>>
        %dma_start3A_315 = arith.constant 0 : i32
        %dma_start3A_316 = arith.constant 0 : i32
        %dma_start3A_317 = tpu.memref_slice %arg2[%dma_start3A_315, %dma_start3A_316] : memref<10000x128xf32, #tpu.memory_space<hbm>> -> memref<10000x128xf32, #tpu.memory_space<hbm>>
        tpu.enqueue_indirect_dma source(%dma_start3A_317 : memref<10000x128xf32, #tpu.memory_space<hbm>>) target(%dma_start3A_311 : memref<100x128xf32, #tpu.memory_space<vmem>>) offsets(%dma_start3A_314 : memref<100xi32, #tpu.memory_space<vmem>>) semaphore(%arg10 : memref<!tpu.dma_semaphore, #tpu.memory_space<semaphore_mem>>)
      } else {
      }
      %dma_wait3A_195 = arith.constant 2 : i32
      %dma_wait3A_196 = arith.constant 0 : i32
      %dma_wait3A_197 = arith.constant 0 : i32
      %dma_wait3A_198 = arith.constant 0 : i32
      %dma_wait3A_199 = arith.constant 0 : i32
      %dma_wait3A_200 = tpu.memref_slice %arg7[%dma_wait3A_197, %dma_wait3A_198, %dma_wait3A_199] : memref<2x100x128xf32, #tpu.memory_space<vmem>> -> memref<1x100x128xf32, #tpu.memory_space<vmem>>
      %dma_wait3A_201 = tpu.memref_squeeze %dma_wait3A_200 : memref<1x100x128xf32, #tpu.memory_space<vmem>> -> memref<100x128xf32, #tpu.memory_space<vmem>>
      %dma_wait3A_202 = arith.constant 0 : i32
      %dma_wait3A_203 = tpu.memref_slice %arg6[%dma_wait3A_195, %dma_wait3A_196, %dma_wait3A_202] : memref<4x2x100xi32, #tpu.memory_space<vmem>> -> memref<1x1x100xi32, #tpu.memory_space<vmem>>
      %dma_wait3A_204 = tpu.memref_squeeze %dma_wait3A_203 : memref<1x1x100xi32, #tpu.memory_space<vmem>> -> memref<100xi32, #tpu.memory_space<vmem>>
      %dma_wait3A_205 = arith.constant 0 : i32
      %dma_wait3A_206 = arith.constant 0 : i32
      %dma_wait3A_207 = tpu.memref_slice %arg2[%dma_wait3A_205, %dma_wait3A_206] : memref<10000x128xf32, #tpu.memory_space<hbm>> -> memref<10000x128xf32, #tpu.memory_space<hbm>>
      tpu.wait_indirect_dma semaphore(%arg9 : memref<!tpu.dma_semaphore, #tpu.memory_space<semaphore_mem>>) src(%dma_wait3A_207 : memref<10000x128xf32, #tpu.memory_space<hbm>>) dst(%dma_wait3A_201 : memref<100x128xf32, #tpu.memory_space<vmem>>)
      %dma_start3A_208 = arith.constant 0 : i32
      %dma_start3A_209 = arith.constant 2 : i32
      %dma_start3A_210 = arith.constant 1 : i32
      %dma_start3A_211 = arith.constant 0 : i32
      %dma_start3A_212 = arith.constant 0 : i32
      %dma_start3A_213 = tpu.memref_slice %arg7[%dma_start3A_208, %dma_start3A_211, %dma_start3A_212] : memref<2x100x128xf32, #tpu.memory_space<vmem>> -> memref<1x100x128xf32, #tpu.memory_space<vmem>>
      %dma_start3A_214 = tpu.memref_squeeze %dma_start3A_213 : memref<1x100x128xf32, #tpu.memory_space<vmem>> -> memref<100x128xf32, #tpu.memory_space<vmem>>
      %dma_start3A_215 = arith.constant 0 : i32
      %dma_start3A_216 = tpu.memref_slice %arg6[%dma_start3A_209, %dma_start3A_210, %dma_start3A_215] : memref<4x2x100xi32, #tpu.memory_space<vmem>> -> memref<1x1x100xi32, #tpu.memory_space<vmem>>
      %dma_start3A_217 = tpu.memref_squeeze %dma_start3A_216 : memref<1x1x100xi32, #tpu.memory_space<vmem>> -> memref<100xi32, #tpu.memory_space<vmem>>
      %dma_start3A_218 = arith.constant 0 : i32
      %dma_start3A_219 = arith.constant 0 : i32
      %dma_start3A_220 = tpu.memref_slice %arg8[%dma_start3A_218, %dma_start3A_219] : memref<10112x128xf32, #tpu.memory_space<vmem_shared>> -> memref<10112x128xf32, #tpu.memory_space<vmem_shared>>
      tpu.enqueue_indirect_dma source(%dma_start3A_214 : memref<100x128xf32, #tpu.memory_space<vmem>>) target(%dma_start3A_220 : memref<10112x128xf32, #tpu.memory_space<vmem_shared>>) offsets(%dma_start3A_217 : memref<100xi32, #tpu.memory_space<vmem>>) semaphore(%arg11 : memref<!tpu.dma_semaphore, #tpu.memory_space<semaphore_mem>>) {add = true}
      %add3A_221 = arith.constant 2 : i32
      %add3A_222 = arith.addi %add3A_174, %add3A_221 : i32
      %lt3A_223 = arith.constant 100 : i32
      %lt3A_224 = arith.cmpi slt, %add3A_222, %lt3A_223 : i32
      %convert_element_type3A_225 = arith.extui %lt3A_224 : i1 to i32
      %cond3A_226 = arith.constant 0 : i32
      %cond3A_227 = arith.cmpi ne, %convert_element_type3A_225, %cond3A_226 : i32
      scf.if %cond3A_227 {
        %add3A_286 = arith.constant 2 : i32
        %add3A_287 = arith.addi %add3A_174, %add3A_286 : i32
        %dma_start3A_288 = arith.constant 0 : i32
        %dma_start3A_289 = arith.constant 0 : i32
        %dma_start3A_290 = arith.constant 0 : i32
        %dma_start3A_291 = tpu.memref_slice %arg6[%dma_start3A_288, %dma_start3A_289, %dma_start3A_290] : memref<4x2x100xi32, #tpu.memory_space<vmem>> -> memref<1x2x100xi32, #tpu.memory_space<vmem>>
        %dma_start3A_292 = tpu.memref_squeeze %dma_start3A_291 : memref<1x2x100xi32, #tpu.memory_space<vmem>> -> memref<2x100xi32, #tpu.memory_space<vmem>>
        %dma_start3A_293 = arith.constant 0 : i32
        %dma_start3A_294 = arith.constant 0 : i32
        %dma_start3A_295 = tpu.memref_slice %arg3[%add3A, %add3A_287, %dma_start3A_293, %dma_start3A_294] : memref<32x100x2x100xi32, #tpu.memory_space<hbm>> -> memref<1x1x2x100xi32, #tpu.memory_space<hbm>>
        %dma_start3A_296 = tpu.memref_squeeze %dma_start3A_295 : memref<1x1x2x100xi32, #tpu.memory_space<hbm>> -> memref<2x100xi32, #tpu.memory_space<hbm>>
        %dma_start3A_297 = arith.constant 0 : i32
        %dma_start3A_298 = arith.constant 0 : i32
        %dma_start3A_299 = tpu.memref_slice %arg6[%dma_start3A_288, %dma_start3A_297, %dma_start3A_298] : memref<4x2x100xi32, #tpu.memory_space<vmem>> -> memref<1x2x100xi32, #tpu.memory_space<vmem>>
        %dma_start3A_300 = tpu.memref_squeeze %dma_start3A_299 : memref<1x2x100xi32, #tpu.memory_space<vmem>> -> memref<2x100xi32, #tpu.memory_space<vmem>>
        %dma_start3A_301 = arith.constant 0 : i32
        %dma_start3A_302 = arith.constant 0 : i32
        %dma_start3A_303 = tpu.memref_slice %arg3[%add3A, %add3A_287, %dma_start3A_301, %dma_start3A_302] : memref<32x100x2x100xi32, #tpu.memory_space<hbm>> -> memref<1x1x2x100xi32, #tpu.memory_space<hbm>>
        %dma_start3A_304 = tpu.memref_squeeze %dma_start3A_303 : memref<1x1x2x100xi32, #tpu.memory_space<hbm>> -> memref<2x100xi32, #tpu.memory_space<hbm>>
        tpu.enqueue_dma source(%dma_start3A_304 : memref<2x100xi32, #tpu.memory_space<hbm>>) target(%dma_start3A_300 : memref<2x100xi32, #tpu.memory_space<vmem>>) target_semaphore(%arg13 : memref<!tpu.dma_semaphore, #tpu.memory_space<semaphore_mem>>)
      } else {
      }
      %mul3A_228 = arith.constant 4 : i32
      %mul3A_229 = arith.muli %mul3A_228, %scan3A_67 : i32
      %add3A_230 = arith.constant 3 : i32
      %add3A_231 = arith.addi %mul3A_229, %add3A_230 : i32
      %dma_wait3A_232 = arith.constant 0 : i32
      %dma_wait3A_233 = arith.constant 2 : i32
      %dma_wait3A_234 = arith.constant 1 : i32
      %dma_wait3A_235 = arith.constant 0 : i32
      %dma_wait3A_236 = arith.constant 0 : i32
      %dma_wait3A_237 = tpu.memref_slice %arg7[%dma_wait3A_232, %dma_wait3A_235, %dma_wait3A_236] : memref<2x100x128xf32, #tpu.memory_space<vmem>> -> memref<1x100x128xf32, #tpu.memory_space<vmem>>
      %dma_wait3A_238 = tpu.memref_squeeze %dma_wait3A_237 : memref<1x100x128xf32, #tpu.memory_space<vmem>> -> memref<100x128xf32, #tpu.memory_space<vmem>>
      %dma_wait3A_239 = arith.constant 0 : i32
      %dma_wait3A_240 = tpu.memref_slice %arg6[%dma_wait3A_233, %dma_wait3A_234, %dma_wait3A_239] : memref<4x2x100xi32, #tpu.memory_space<vmem>> -> memref<1x1x100xi32, #tpu.memory_space<vmem>>
      %dma_wait3A_241 = tpu.memref_squeeze %dma_wait3A_240 : memref<1x1x100xi32, #tpu.memory_space<vmem>> -> memref<100xi32, #tpu.memory_space<vmem>>
      %dma_wait3A_242 = arith.constant 0 : i32
      %dma_wait3A_243 = arith.constant 0 : i32
      %dma_wait3A_244 = tpu.memref_slice %arg8[%dma_wait3A_242, %dma_wait3A_243] : memref<10112x128xf32, #tpu.memory_space<vmem_shared>> -> memref<10112x128xf32, #tpu.memory_space<vmem_shared>>
      tpu.wait_indirect_dma semaphore(%arg11 : memref<!tpu.dma_semaphore, #tpu.memory_space<semaphore_mem>>) src(%dma_wait3A_238 : memref<100x128xf32, #tpu.memory_space<vmem>>) dst(%dma_wait3A_244 : memref<10112x128xf32, #tpu.memory_space<vmem_shared>>)
      %add3A_245 = arith.constant 1 : i32
      %add3A_246 = arith.addi %add3A_231, %add3A_245 : i32
      %lt3A_247 = arith.constant 100 : i32
      %lt3A_248 = arith.cmpi slt, %add3A_246, %lt3A_247 : i32
      %convert_element_type3A_249 = arith.extui %lt3A_248 : i1 to i32
      %cond3A_250 = arith.constant 0 : i32
      %cond3A_251 = arith.cmpi ne, %convert_element_type3A_249, %cond3A_250 : i32
      scf.if %cond3A_251 {
        %add3A_286 = arith.constant 1 : i32
        %add3A_287 = arith.addi %add3A_231, %add3A_286 : i32
        %dma_wait3A_288 = arith.constant 0 : i32
        %dma_wait3A_289 = arith.constant 0 : i32
        %dma_wait3A_290 = arith.constant 0 : i32
        %dma_wait3A_291 = tpu.memref_slice %arg6[%dma_wait3A_288, %dma_wait3A_289, %dma_wait3A_290] : memref<4x2x100xi32, #tpu.memory_space<vmem>> -> memref<1x2x100xi32, #tpu.memory_space<vmem>>
        %dma_wait3A_292 = tpu.memref_squeeze %dma_wait3A_291 : memref<1x2x100xi32, #tpu.memory_space<vmem>> -> memref<2x100xi32, #tpu.memory_space<vmem>>
        %dma_wait3A_293 = arith.constant 0 : i32
        %dma_wait3A_294 = arith.constant 0 : i32
        %dma_wait3A_295 = tpu.memref_slice %arg3[%add3A, %add3A_287, %dma_wait3A_293, %dma_wait3A_294] : memref<32x100x2x100xi32, #tpu.memory_space<hbm>> -> memref<1x1x2x100xi32, #tpu.memory_space<hbm>>
        %dma_wait3A_296 = tpu.memref_squeeze %dma_wait3A_295 : memref<1x1x2x100xi32, #tpu.memory_space<hbm>> -> memref<2x100xi32, #tpu.memory_space<hbm>>
        %dma_wait3A_297 = arith.constant 0 : i32
        %dma_wait3A_298 = arith.constant 0 : i32
        %dma_wait3A_299 = tpu.memref_slice %arg6[%dma_wait3A_288, %dma_wait3A_297, %dma_wait3A_298] : memref<4x2x100xi32, #tpu.memory_space<vmem>> -> memref<1x2x100xi32, #tpu.memory_space<vmem>>
        %dma_wait3A_300 = tpu.memref_squeeze %dma_wait3A_299 : memref<1x2x100xi32, #tpu.memory_space<vmem>> -> memref<2x100xi32, #tpu.memory_space<vmem>>
        %dma_wait3A_301 = arith.constant 0 : i32
        %dma_wait3A_302 = arith.constant 0 : i32
        %dma_wait3A_303 = tpu.memref_slice %arg3[%add3A, %add3A_287, %dma_wait3A_301, %dma_wait3A_302] : memref<32x100x2x100xi32, #tpu.memory_space<hbm>> -> memref<1x1x2x100xi32, #tpu.memory_space<hbm>>
        %dma_wait3A_304 = tpu.memref_squeeze %dma_wait3A_303 : memref<1x1x2x100xi32, #tpu.memory_space<hbm>> -> memref<2x100xi32, #tpu.memory_space<hbm>>
        tpu.wait_dma2 semaphore(%arg13 : memref<!tpu.dma_semaphore, #tpu.memory_space<semaphore_mem>>) src(%dma_wait3A_304 : memref<2x100xi32, #tpu.memory_space<hbm>>) dst(%dma_wait3A_300 : memref<2x100xi32, #tpu.memory_space<vmem>>)
        %dma_start3A_305 = arith.constant 0 : i32
        %dma_start3A_306 = arith.constant 0 : i32
        %dma_start3A_307 = arith.constant 0 : i32
        %dma_start3A_308 = arith.constant 0 : i32
        %dma_start3A_309 = arith.constant 0 : i32
        %dma_start3A_310 = tpu.memref_slice %arg7[%dma_start3A_307, %dma_start3A_308, %dma_start3A_309] : memref<2x100x128xf32, #tpu.memory_space<vmem>> -> memref<1x100x128xf32, #tpu.memory_space<vmem>>
        %dma_start3A_311 = tpu.memref_squeeze %dma_start3A_310 : memref<1x100x128xf32, #tpu.memory_space<vmem>> -> memref<100x128xf32, #tpu.memory_space<vmem>>
        %dma_start3A_312 = arith.constant 0 : i32
        %dma_start3A_313 = tpu.memref_slice %arg6[%dma_start3A_305, %dma_start3A_306, %dma_start3A_312] : memref<4x2x100xi32, #tpu.memory_space<vmem>> -> memref<1x1x100xi32, #tpu.memory_space<vmem>>
        %dma_start3A_314 = tpu.memref_squeeze %dma_start3A_313 : memref<1x1x100xi32, #tpu.memory_space<vmem>> -> memref<100xi32, #tpu.memory_space<vmem>>
        %dma_start3A_315 = arith.constant 0 : i32
        %dma_start3A_316 = arith.constant 0 : i32
        %dma_start3A_317 = tpu.memref_slice %arg2[%dma_start3A_315, %dma_start3A_316] : memref<10000x128xf32, #tpu.memory_space<hbm>> -> memref<10000x128xf32, #tpu.memory_space<hbm>>
        tpu.enqueue_indirect_dma source(%dma_start3A_317 : memref<10000x128xf32, #tpu.memory_space<hbm>>) target(%dma_start3A_311 : memref<100x128xf32, #tpu.memory_space<vmem>>) offsets(%dma_start3A_314 : memref<100xi32, #tpu.memory_space<vmem>>) semaphore(%arg9 : memref<!tpu.dma_semaphore, #tpu.memory_space<semaphore_mem>>)
      } else {
      }
      %dma_wait3A_252 = arith.constant 3 : i32
      %dma_wait3A_253 = arith.constant 0 : i32
      %dma_wait3A_254 = arith.constant 1 : i32
      %dma_wait3A_255 = arith.constant 0 : i32
      %dma_wait3A_256 = arith.constant 0 : i32
      %dma_wait3A_257 = tpu.memref_slice %arg7[%dma_wait3A_254, %dma_wait3A_255, %dma_wait3A_256] : memref<2x100x128xf32, #tpu.memory_space<vmem>> -> memref<1x100x128xf32, #tpu.memory_space<vmem>>
      %dma_wait3A_258 = tpu.memref_squeeze %dma_wait3A_257 : memref<1x100x128xf32, #tpu.memory_space<vmem>> -> memref<100x128xf32, #tpu.memory_space<vmem>>
      %dma_wait3A_259 = arith.constant 0 : i32
      %dma_wait3A_260 = tpu.memref_slice %arg6[%dma_wait3A_252, %dma_wait3A_253, %dma_wait3A_259] : memref<4x2x100xi32, #tpu.memory_space<vmem>> -> memref<1x1x100xi32, #tpu.memory_space<vmem>>
      %dma_wait3A_261 = tpu.memref_squeeze %dma_wait3A_260 : memref<1x1x100xi32, #tpu.memory_space<vmem>> -> memref<100xi32, #tpu.memory_space<vmem>>
      %dma_wait3A_262 = arith.constant 0 : i32
      %dma_wait3A_263 = arith.constant 0 : i32
      %dma_wait3A_264 = tpu.memref_slice %arg2[%dma_wait3A_262, %dma_wait3A_263] : memref<10000x128xf32, #tpu.memory_space<hbm>> -> memref<10000x128xf32, #tpu.memory_space<hbm>>
      tpu.wait_indirect_dma semaphore(%arg10 : memref<!tpu.dma_semaphore, #tpu.memory_space<semaphore_mem>>) src(%dma_wait3A_264 : memref<10000x128xf32, #tpu.memory_space<hbm>>) dst(%dma_wait3A_258 : memref<100x128xf32, #tpu.memory_space<vmem>>)
      %dma_start3A_265 = arith.constant 1 : i32
      %dma_start3A_266 = arith.constant 3 : i32
      %dma_start3A_267 = arith.constant 1 : i32
      %dma_start3A_268 = arith.constant 0 : i32
      %dma_start3A_269 = arith.constant 0 : i32
      %dma_start3A_270 = tpu.memref_slice %arg7[%dma_start3A_265, %dma_start3A_268, %dma_start3A_269] : memref<2x100x128xf32, #tpu.memory_space<vmem>> -> memref<1x100x128xf32, #tpu.memory_space<vmem>>
      %dma_start3A_271 = tpu.memref_squeeze %dma_start3A_270 : memref<1x100x128xf32, #tpu.memory_space<vmem>> -> memref<100x128xf32, #tpu.memory_space<vmem>>
      %dma_start3A_272 = arith.constant 0 : i32
      %dma_start3A_273 = tpu.memref_slice %arg6[%dma_start3A_266, %dma_start3A_267, %dma_start3A_272] : memref<4x2x100xi32, #tpu.memory_space<vmem>> -> memref<1x1x100xi32, #tpu.memory_space<vmem>>
      %dma_start3A_274 = tpu.memref_squeeze %dma_start3A_273 : memref<1x1x100xi32, #tpu.memory_space<vmem>> -> memref<100xi32, #tpu.memory_space<vmem>>
      %dma_start3A_275 = arith.constant 0 : i32
      %dma_start3A_276 = arith.constant 0 : i32
      %dma_start3A_277 = tpu.memref_slice %arg8[%dma_start3A_275, %dma_start3A_276] : memref<10112x128xf32, #tpu.memory_space<vmem_shared>> -> memref<10112x128xf32, #tpu.memory_space<vmem_shared>>
      tpu.enqueue_indirect_dma source(%dma_start3A_271 : memref<100x128xf32, #tpu.memory_space<vmem>>) target(%dma_start3A_277 : memref<10112x128xf32, #tpu.memory_space<vmem_shared>>) offsets(%dma_start3A_274 : memref<100xi32, #tpu.memory_space<vmem>>) semaphore(%arg12 : memref<!tpu.dma_semaphore, #tpu.memory_space<semaphore_mem>>) {add = true}
      %add3A_278 = arith.constant 2 : i32
      %add3A_279 = arith.addi %add3A_231, %add3A_278 : i32
      %lt3A_280 = arith.constant 100 : i32
      %lt3A_281 = arith.cmpi slt, %add3A_279, %lt3A_280 : i32
      %convert_element_type3A_282 = arith.extui %lt3A_281 : i1 to i32
      %cond3A_283 = arith.constant 0 : i32
      %cond3A_284 = arith.cmpi ne, %convert_element_type3A_282, %cond3A_283 : i32
      scf.if %cond3A_284 {
        %add3A_286 = arith.constant 2 : i32
        %add3A_287 = arith.addi %add3A_231, %add3A_286 : i32
        %dma_start3A_288 = arith.constant 1 : i32
        %dma_start3A_289 = arith.constant 0 : i32
        %dma_start3A_290 = arith.constant 0 : i32
        %dma_start3A_291 = tpu.memref_slice %arg6[%dma_start3A_288, %dma_start3A_289, %dma_start3A_290] : memref<4x2x100xi32, #tpu.memory_space<vmem>> -> memref<1x2x100xi32, #tpu.memory_space<vmem>>
        %dma_start3A_292 = tpu.memref_squeeze %dma_start3A_291 : memref<1x2x100xi32, #tpu.memory_space<vmem>> -> memref<2x100xi32, #tpu.memory_space<vmem>>
        %dma_start3A_293 = arith.constant 0 : i32
        %dma_start3A_294 = arith.constant 0 : i32
        %dma_start3A_295 = tpu.memref_slice %arg3[%add3A, %add3A_287, %dma_start3A_293, %dma_start3A_294] : memref<32x100x2x100xi32, #tpu.memory_space<hbm>> -> memref<1x1x2x100xi32, #tpu.memory_space<hbm>>
        %dma_start3A_296 = tpu.memref_squeeze %dma_start3A_295 : memref<1x1x2x100xi32, #tpu.memory_space<hbm>> -> memref<2x100xi32, #tpu.memory_space<hbm>>
        %dma_start3A_297 = arith.constant 0 : i32
        %dma_start3A_298 = arith.constant 0 : i32
        %dma_start3A_299 = tpu.memref_slice %arg6[%dma_start3A_288, %dma_start3A_297, %dma_start3A_298] : memref<4x2x100xi32, #tpu.memory_space<vmem>> -> memref<1x2x100xi32, #tpu.memory_space<vmem>>
        %dma_start3A_300 = tpu.memref_squeeze %dma_start3A_299 : memref<1x2x100xi32, #tpu.memory_space<vmem>> -> memref<2x100xi32, #tpu.memory_space<vmem>>
        %dma_start3A_301 = arith.constant 0 : i32
        %dma_start3A_302 = arith.constant 0 : i32
        %dma_start3A_303 = tpu.memref_slice %arg3[%add3A, %add3A_287, %dma_start3A_301, %dma_start3A_302] : memref<32x100x2x100xi32, #tpu.memory_space<hbm>> -> memref<1x1x2x100xi32, #tpu.memory_space<hbm>>
        %dma_start3A_304 = tpu.memref_squeeze %dma_start3A_303 : memref<1x1x2x100xi32, #tpu.memory_space<hbm>> -> memref<2x100xi32, #tpu.memory_space<hbm>>
        tpu.enqueue_dma source(%dma_start3A_304 : memref<2x100xi32, #tpu.memory_space<hbm>>) target(%dma_start3A_300 : memref<2x100xi32, #tpu.memory_space<vmem>>) target_semaphore(%arg14 : memref<!tpu.dma_semaphore, #tpu.memory_space<semaphore_mem>>)
      } else {
      }
      %scan3A_285 = arith.constant 0 : i32
      scf.yield %scan3A_285 : i32
    }
    %scan3A_48 = arith.constant 25 : i32
    %dma_wait3A_49 = arith.constant 1 : i32
    %dma_wait3A_50 = arith.constant 3 : i32
    %dma_wait3A_51 = arith.constant 1 : i32
    %dma_wait3A_52 = arith.constant 0 : i32
    %dma_wait3A_53 = arith.constant 0 : i32
    %dma_wait3A_54 = tpu.memref_slice %arg7[%dma_wait3A_49, %dma_wait3A_52, %dma_wait3A_53] : memref<2x100x128xf32, #tpu.memory_space<vmem>> -> memref<1x100x128xf32, #tpu.memory_space<vmem>>
    %dma_wait3A_55 = tpu.memref_squeeze %dma_wait3A_54 : memref<1x100x128xf32, #tpu.memory_space<vmem>> -> memref<100x128xf32, #tpu.memory_space<vmem>>
    %dma_wait3A_56 = arith.constant 0 : i32
    %dma_wait3A_57 = tpu.memref_slice %arg6[%dma_wait3A_50, %dma_wait3A_51, %dma_wait3A_56] : memref<4x2x100xi32, #tpu.memory_space<vmem>> -> memref<1x1x100xi32, #tpu.memory_space<vmem>>
    %dma_wait3A_58 = tpu.memref_squeeze %dma_wait3A_57 : memref<1x1x100xi32, #tpu.memory_space<vmem>> -> memref<100xi32, #tpu.memory_space<vmem>>
    %dma_wait3A_59 = arith.constant 0 : i32
    %dma_wait3A_60 = arith.constant 0 : i32
    %dma_wait3A_61 = tpu.memref_slice %arg8[%dma_wait3A_59, %dma_wait3A_60] : memref<10112x128xf32, #tpu.memory_space<vmem_shared>> -> memref<10112x128xf32, #tpu.memory_space<vmem_shared>>
    tpu.wait_indirect_dma semaphore(%arg12 : memref<!tpu.dma_semaphore, #tpu.memory_space<semaphore_mem>>) src(%dma_wait3A_55 : memref<100x128xf32, #tpu.memory_space<vmem>>) dst(%dma_wait3A_61 : memref<10112x128xf32, #tpu.memory_space<vmem_shared>>)
    %barrier3A_62 = arith.constant 0 : index
    tpu.barrier barrier_id(%barrier3A_62)
    %mul3A_63 = arith.constant 632 : i32
    %mul3A_64 = arith.muli %arg1, %mul3A_63 : i32
    %mul3A_65 = arith.constant 632 : i32
    %mul3A_66 = arith.muli %arg1, %mul3A_65 : i32
    "tpu.region"() ({
      %run_scoped3A_67 = tpu.sem_alloc : memref<!tpu.dma_semaphore, #tpu.memory_space<semaphore_mem>>
      %dma_start3A_68 = arith.constant 0 : i32
      %dma_start3A_69 = tpu.memref_slice %arg5[%arg0, %mul3A_66, %dma_start3A_68] : memref<2x10112x128xf32, #tpu.memory_space<hbm>> -> memref<1x632x128xf32, #tpu.memory_space<hbm>>
      %dma_start3A_70 = tpu.memref_squeeze %dma_start3A_69 : memref<1x632x128xf32, #tpu.memory_space<hbm>> -> memref<632x128xf32, #tpu.memory_space<hbm>>
      %dma_start3A_71 = arith.constant 0 : i32
      %dma_start3A_72 = tpu.memref_slice %arg8[%mul3A_64, %dma_start3A_71] : memref<10112x128xf32, #tpu.memory_space<vmem_shared>> -> memref<632x128xf32, #tpu.memory_space<vmem_shared>>
      tpu.enqueue_dma source(%dma_start3A_72 : memref<632x128xf32, #tpu.memory_space<vmem_shared>>) target(%dma_start3A_70 : memref<632x128xf32, #tpu.memory_space<hbm>>) target_semaphore(%run_scoped3A_67 : memref<!tpu.dma_semaphore, #tpu.memory_space<semaphore_mem>>)
      %dma_wait3A_73 = arith.constant 0 : i32
      %dma_wait3A_74 = tpu.memref_slice %arg5[%arg0, %mul3A_66, %dma_wait3A_73] : memref<2x10112x128xf32, #tpu.memory_space<hbm>> -> memref<1x632x128xf32, #tpu.memory_space<hbm>>
      %dma_wait3A_75 = tpu.memref_squeeze %dma_wait3A_74 : memref<1x632x128xf32, #tpu.memory_space<hbm>> -> memref<632x128xf32, #tpu.memory_space<hbm>>
      %dma_wait3A_76 = arith.constant 0 : i32
      %dma_wait3A_77 = tpu.memref_slice %arg8[%mul3A_64, %dma_wait3A_76] : memref<10112x128xf32, #tpu.memory_space<vmem_shared>> -> memref<632x128xf32, #tpu.memory_space<vmem_shared>>
      tpu.wait_dma2 semaphore(%run_scoped3A_67 : memref<!tpu.dma_semaphore, #tpu.memory_space<semaphore_mem>>) src(%dma_wait3A_77 : memref<632x128xf32, #tpu.memory_space<vmem_shared>>) dst(%dma_wait3A_75 : memref<632x128xf32, #tpu.memory_space<hbm>>)
      tpu.yield
    }) : () -> ()
    return
  }
}

#map = affine_map<(d0, d1) -> (0, 0)>
#map1 = affine_map<(d0, d1) -> (0, 0, 0, 0)>
#map2 = affine_map<(d0, d1) -> (0, 0, 0)>
module attributes {stable_mosaic.version = 14 : i64} {
  func.func @_sc_segment_sum(%arg0: i32, %arg1: i32, %arg2: memref<10000x128xf32, #tpu.memory_space<hbm>>, %arg3: memref<32x100x2x100xi32, #tpu.memory_space<hbm>>, %arg4: memref<10112x128xf32, #tpu.memory_space<hbm>>, %arg5: memref<2x10112x128xf32, #tpu.memory_space<hbm>>, %arg6: memref<4x2x100xi32, #tpu.memory_space<vmem>>, %arg7: memref<2x100x128xf32, #tpu.memory_space<vmem>>, %arg8: memref<10112x128xf32, #tpu.memory_space<vmem_shared>>, %arg9: memref<!tpu.dma_semaphore, #tpu.memory_space<semaphore_mem>>, %arg10: memref<!tpu.dma_semaphore, #tpu.memory_space<semaphore_mem>>, %arg11: memref<!tpu.dma_semaphore, #tpu.memory_space<semaphore_mem>>, %arg12: memref<!tpu.dma_semaphore, #tpu.memory_space<semaphore_mem>>, %arg13: memref<!tpu.dma_semaphore, #tpu.memory_space<semaphore_mem>>, %arg14: memref<!tpu.dma_semaphore, #tpu.memory_space<semaphore_mem>>, %arg15: memref<!tpu.dma_semaphore, #tpu.memory_space<semaphore_mem>>, %arg16: memref<!tpu.dma_semaphore, #tpu.memory_space<semaphore_mem>>, %arg17: memref<!tpu.dma_semaphore, #tpu.memory_space<semaphore_mem>>) attributes {dimension_semantics = [#tpu.dimension_semantics<core_parallel>, #tpu.dimension_semantics<subcore_parallel>], iteration_bounds = array<i64: 2, 16>, scalar_prefetch = 0 : i64, scratch_operands = 12 : i64, tpu.core_type = #tpu.core_type<sc_vector_subcore>, window_params = [{transform_indices = #map}, {transform_indices = #map1}, {transform_indices = #map}, {transform_indices = #map2}]} {
    %mul3A = arith.constant 2 : i32
    %mul3A_0 = arith.muli %arg1, %mul3A : i32
    %add3A = arith.addi %mul3A_0, %arg0 : i32
    %mul3A_1 = arith.constant 632 : i32
    %mul3A_2 = arith.muli %arg1, %mul3A_1 : i32
    %mul3A_3 = arith.constant 632 : i32
    %mul3A_4 = arith.muli %arg1, %mul3A_3 : i32
    %dma_start3A = arith.constant 0 : i32
    %dma_start3A_5 = tpu.memref_slice %arg8[%mul3A_4, %dma_start3A] : memref<10112x128xf32, #tpu.memory_space<vmem_shared>> -> memref<632x128xf32, #tpu.memory_space<vmem_shared>>
    %dma_start3A_6 = arith.constant 0 : i32
    %dma_start3A_7 = tpu.memref_slice %arg4[%mul3A_2, %dma_start3A_6] : memref<10112x128xf32, #tpu.memory_space<hbm>> -> memref<632x128xf32, #tpu.memory_space<hbm>>
    tpu.enqueue_dma source(%dma_start3A_7 : memref<632x128xf32, #tpu.memory_space<hbm>>) target(%dma_start3A_5 : memref<632x128xf32, #tpu.memory_space<vmem_shared>>) target_semaphore(%arg17 : memref<!tpu.dma_semaphore, #tpu.memory_space<semaphore_mem>>)
    %run_scoped3A = arith.constant 0 : i32
    %run_scoped3A_8 = arith.constant 0 : i32
    "tpu.region"() ({
      %run_scoped3A_67 = tpu.sem_alloc : memref<!tpu.dma_semaphore, #tpu.memory_space<semaphore_mem>>
      %dma_start3A_68 = arith.constant 0 : i32
      %dma_start3A_69 = arith.constant 0 : i32
      %dma_start3A_70 = tpu.memref_slice %arg6[%run_scoped3A_8, %dma_start3A_68, %dma_start3A_69] : memref<4x2x100xi32, #tpu.memory_space<vmem>> -> memref<1x2x100xi32, #tpu.memory_space<vmem>>
      %dma_start3A_71 = tpu.memref_squeeze %dma_start3A_70 : memref<1x2x100xi32, #tpu.memory_space<vmem>> -> memref<2x100xi32, #tpu.memory_space<vmem>>
      %dma_start3A_72 = arith.constant 0 : i32
      %dma_start3A_73 = arith.constant 0 : i32
      %dma_start3A_74 = tpu.memref_slice %arg3[%add3A, %run_scoped3A, %dma_start3A_72, %dma_start3A_73] : memref<32x100x2x100xi32, #tpu.memory_space<hbm>> -> memref<1x1x2x100xi32, #tpu.memory_space<hbm>>
      %dma_start3A_75 = tpu.memref_squeeze %dma_start3A_74 : memref<1x1x2x100xi32, #tpu.memory_space<hbm>> -> memref<2x100xi32, #tpu.memory_space<hbm>>
      %dma_start3A_76 = arith.constant 0 : i32
      %dma_start3A_77 = arith.constant 0 : i32
      %dma_start3A_78 = tpu.memref_slice %arg6[%run_scoped3A_8, %dma_start3A_76, %dma_start3A_77] : memref<4x2x100xi32, #tpu.memory_space<vmem>> -> memref<1x2x100xi32, #tpu.memory_space<vmem>>
      %dma_start3A_79 = tpu.memref_squeeze %dma_start3A_78 : memref<1x2x100xi32, #tpu.memory_space<vmem>> -> memref<2x100xi32, #tpu.memory_space<vmem>>
      %dma_start3A_80 = arith.constant 0 : i32
      %dma_start3A_81 = arith.constant 0 : i32
      %dma_start3A_82 = tpu.memref_slice %arg3[%add3A, %run_scoped3A, %dma_start3A_80, %dma_start3A_81] : memref<32x100x2x100xi32, #tpu.memory_space<hbm>> -> memref<1x1x2x100xi32, #tpu.memory_space<hbm>>
      %dma_start3A_83 = tpu.memref_squeeze %dma_start3A_82 : memref<1x1x2x100xi32, #tpu.memory_space<hbm>> -> memref<2x100xi32, #tpu.memory_space<hbm>>
      tpu.enqueue_dma source(%dma_start3A_83 : memref<2x100xi32, #tpu.memory_space<hbm>>) target(%dma_start3A_79 : memref<2x100xi32, #tpu.memory_space<vmem>>) target_semaphore(%run_scoped3A_67 : memref<!tpu.dma_semaphore, #tpu.memory_space<semaphore_mem>>)
      %dma_wait3A_84 = arith.constant 0 : i32
      %dma_wait3A_85 = arith.constant 0 : i32
      %dma_wait3A_86 = tpu.memref_slice %arg6[%run_scoped3A_8, %dma_wait3A_84, %dma_wait3A_85] : memref<4x2x100xi32, #tpu.memory_space<vmem>> -> memref<1x2x100xi32, #tpu.memory_space<vmem>>
      %dma_wait3A_87 = tpu.memref_squeeze %dma_wait3A_86 : memref<1x2x100xi32, #tpu.memory_space<vmem>> -> memref<2x100xi32, #tpu.memory_space<vmem>>
      %dma_wait3A_88 = arith.constant 0 : i32
      %dma_wait3A_89 = arith.constant 0 : i32
      %dma_wait3A_90 = tpu.memref_slice %arg3[%add3A, %run_scoped3A, %dma_wait3A_88, %dma_wait3A_89] : memref<32x100x2x100xi32, #tpu.memory_space<hbm>> -> memref<1x1x2x100xi32, #tpu.memory_space<hbm>>
      %dma_wait3A_91 = tpu.memref_squeeze %dma_wait3A_90 : memref<1x1x2x100xi32, #tpu.memory_space<hbm>> -> memref<2x100xi32, #tpu.memory_space<hbm>>
      %dma_wait3A_92 = arith.constant 0 : i32
      %dma_wait3A_93 = arith.constant 0 : i32
      %dma_wait3A_94 = tpu.memref_slice %arg6[%run_scoped3A_8, %dma_wait3A_92, %dma_wait3A_93] : memref<4x2x100xi32, #tpu.memory_space<vmem>> -> memref<1x2x100xi32, #tpu.memory_space<vmem>>
      %dma_wait3A_95 = tpu.memref_squeeze %dma_wait3A_94 : memref<1x2x100xi32, #tpu.memory_space<vmem>> -> memref<2x100xi32, #tpu.memory_space<vmem>>
      %dma_wait3A_96 = arith.constant 0 : i32
      %dma_wait3A_97 = arith.constant 0 : i32
      %dma_wait3A_98 = tpu.memref_slice %arg3[%add3A, %run_scoped3A, %dma_wait3A_96, %dma_wait3A_97] : memref<32x100x2x100xi32, #tpu.memory_space<hbm>> -> memref<1x1x2x100xi32, #tpu.memory_space<hbm>>
      %dma_wait3A_99 = tpu.memref_squeeze %dma_wait3A_98 : memref<1x1x2x100xi32, #tpu.memory_space<hbm>> -> memref<2x100xi32, #tpu.memory_space<hbm>>
      tpu.wait_dma2 semaphore(%run_scoped3A_67 : memref<!tpu.dma_semaphore, #tpu.memory_space<semaphore_mem>>) src(%dma_wait3A_99 : memref<2x100xi32, #tpu.memory_space<hbm>>) dst(%dma_wait3A_95 : memref<2x100xi32, #tpu.memory_space<vmem>>)
      tpu.yield
    }) : () -> ()
    %dma_start3A_9 = arith.constant 0 : i32
    %dma_start3A_10 = arith.constant 0 : i32
    %dma_start3A_11 = arith.constant 0 : i32
    %dma_start3A_12 = arith.constant 0 : i32
    %dma_start3A_13 = arith.constant 0 : i32
    %dma_start3A_14 = tpu.memref_slice %arg7[%dma_start3A_11, %dma_start3A_12, %dma_start3A_13] : memref<2x100x128xf32, #tpu.memory_space<vmem>> -> memref<1x100x128xf32, #tpu.memory_space<vmem>>
    %dma_start3A_15 = tpu.memref_squeeze %dma_start3A_14 : memref<1x100x128xf32, #tpu.memory_space<vmem>> -> memref<100x128xf32, #tpu.memory_space<vmem>>
    %dma_start3A_16 = arith.constant 0 : i32
    %dma_start3A_17 = tpu.memref_slice %arg6[%dma_start3A_9, %dma_start3A_10, %dma_start3A_16] : memref<4x2x100xi32, #tpu.memory_space<vmem>> -> memref<1x1x100xi32, #tpu.memory_space<vmem>>
    %dma_start3A_18 = tpu.memref_squeeze %dma_start3A_17 : memref<1x1x100xi32, #tpu.memory_space<vmem>> -> memref<100xi32, #tpu.memory_space<vmem>>
    %dma_start3A_19 = arith.constant 0 : i32
    %dma_start3A_20 = arith.constant 0 : i32
    %dma_start3A_21 = tpu.memref_slice %arg2[%dma_start3A_19, %dma_start3A_20] : memref<10000x128xf32, #tpu.memory_space<hbm>> -> memref<10000x128xf32, #tpu.memory_space<hbm>>
    tpu.enqueue_indirect_dma source(%dma_start3A_21 : memref<10000x128xf32, #tpu.memory_space<hbm>>) target(%dma_start3A_15 : memref<100x128xf32, #tpu.memory_space<vmem>>) offsets(%dma_start3A_18 : memref<100xi32, #tpu.memory_space<vmem>>) semaphore(%arg9 : memref<!tpu.dma_semaphore, #tpu.memory_space<semaphore_mem>>)
    %dma_start3A_22 = arith.constant 1 : i32
    %dma_start3A_23 = arith.constant 1 : i32
    %dma_start3A_24 = arith.constant 0 : i32
    %dma_start3A_25 = arith.constant 0 : i32
    %dma_start3A_26 = tpu.memref_slice %arg6[%dma_start3A_23, %dma_start3A_24, %dma_start3A_25] : memref<4x2x100xi32, #tpu.memory_space<vmem>> -> memref<1x2x100xi32, #tpu.memory_space<vmem>>
    %dma_start3A_27 = tpu.memref_squeeze %dma_start3A_26 : memref<1x2x100xi32, #tpu.memory_space<vmem>> -> memref<2x100xi32, #tpu.memory_space<vmem>>
    %dma_start3A_28 = arith.constant 0 : i32
    %dma_start3A_29 = arith.constant 0 : i32
    %dma_start3A_30 = tpu.memref_slice %arg3[%add3A, %dma_start3A_22, %dma_start3A_28, %dma_start3A_29] : memref<32x100x2x100xi32, #tpu.memory_space<hbm>> -> memref<1x1x2x100xi32, #tpu.memory_space<hbm>>
    %dma_start3A_31 = tpu.memref_squeeze %dma_start3A_30 : memref<1x1x2x100xi32, #tpu.memory_space<hbm>> -> memref<2x100xi32, #tpu.memory_space<hbm>>
    %dma_start3A_32 = arith.constant 0 : i32
    %dma_start3A_33 = arith.constant 0 : i32
    %dma_start3A_34 = tpu.memref_slice %arg6[%dma_start3A_23, %dma_start3A_32, %dma_start3A_33] : memref<4x2x100xi32, #tpu.memory_space<vmem>> -> memref<1x2x100xi32, #tpu.memory_space<vmem>>
    %dma_start3A_35 = tpu.memref_squeeze %dma_start3A_34 : memref<1x2x100xi32, #tpu.memory_space<vmem>> -> memref<2x100xi32, #tpu.memory_space<vmem>>
    %dma_start3A_36 = arith.constant 0 : i32
    %dma_start3A_37 = arith.constant 0 : i32
    %dma_start3A_38 = tpu.memref_slice %arg3[%add3A, %dma_start3A_22, %dma_start3A_36, %dma_start3A_37] : memref<32x100x2x100xi32, #tpu.memory_space<hbm>> -> memref<1x1x2x100xi32, #tpu.memory_space<hbm>>
    %dma_start3A_39 = tpu.memref_squeeze %dma_start3A_38 : memref<1x1x2x100xi32, #tpu.memory_space<hbm>> -> memref<2x100xi32, #tpu.memory_space<hbm>>
    tpu.enqueue_dma source(%dma_start3A_39 : memref<2x100xi32, #tpu.memory_space<hbm>>) target(%dma_start3A_35 : memref<2x100xi32, #tpu.memory_space<vmem>>) target_semaphore(%arg14 : memref<!tpu.dma_semaphore, #tpu.memory_space<semaphore_mem>>)
    %dma_wait3A = arith.constant 0 : i32
    %dma_wait3A_40 = tpu.memref_slice %arg8[%mul3A_4, %dma_wait3A] : memref<10112x128xf32, #tpu.memory_space<vmem_shared>> -> memref<632x128xf32, #tpu.memory_space<vmem_shared>>
    %dma_wait3A_41 = arith.constant 0 : i32
    %dma_wait3A_42 = tpu.memref_slice %arg4[%mul3A_2, %dma_wait3A_41] : memref<10112x128xf32, #tpu.memory_space<hbm>> -> memref<632x128xf32, #tpu.memory_space<hbm>>
    tpu.wait_dma2 semaphore(%arg17 : memref<!tpu.dma_semaphore, #tpu.memory_space<semaphore_mem>>) src(%dma_wait3A_42 : memref<632x128xf32, #tpu.memory_space<hbm>>) dst(%dma_wait3A_40 : memref<632x128xf32, #tpu.memory_space<vmem_shared>>)
    %barrier3A = arith.constant 0 : index
    tpu.barrier barrier_id(%barrier3A)
    %scan3A = arith.constant 0 : i32
    %scan3A_43 = arith.constant 0 : i32
    %scan3A_44 = arith.constant 25 : i32
    %scan3A_45 = arith.addi %scan3A_43, %scan3A_44 : i32
    %scan3A_46 = arith.constant 1 : i32
    %scan3A_47 = scf.for %scan3A_67 = %scan3A_43 to %scan3A_45 step %scan3A_46 iter_args(%scan3A_68 = %scan3A) -> (i32)  : i32 {
      %mul3A_69 = arith.constant 4 : i32
      %mul3A_70 = arith.muli %mul3A_69, %scan3A_67 : i32
      %add3A_71 = arith.constant 0 : i32
      %add3A_72 = arith.addi %mul3A_70, %add3A_71 : i32
      %gt3A = arith.constant 0 : i32
      %gt3A_73 = arith.cmpi sgt, %scan3A_67, %gt3A : i32
      %convert_element_type3A = arith.extui %gt3A_73 : i1 to i32
      %cond3A = arith.constant 0 : i32
      %cond3A_74 = arith.cmpi ne, %convert_element_type3A, %cond3A : i32
      scf.if %cond3A_74 {
        %dma_wait3A_286 = arith.constant 1 : i32
        %dma_wait3A_287 = arith.constant 3 : i32
        %dma_wait3A_288 = arith.constant 1 : i32
        %dma_wait3A_289 = arith.constant 0 : i32
        %dma_wait3A_290 = arith.constant 0 : i32
        %dma_wait3A_291 = tpu.memref_slice %arg7[%dma_wait3A_286, %dma_wait3A_289, %dma_wait3A_290] : memref<2x100x128xf32, #tpu.memory_space<vmem>> -> memref<1x100x128xf32, #tpu.memory_space<vmem>>
        %dma_wait3A_292 = tpu.memref_squeeze %dma_wait3A_291 : memref<1x100x128xf32, #tpu.memory_space<vmem>> -> memref<100x128xf32, #tpu.memory_space<vmem>>
        %dma_wait3A_293 = arith.constant 0 : i32
        %dma_wait3A_294 = tpu.memref_slice %arg6[%dma_wait3A_287, %dma_wait3A_288, %dma_wait3A_293] : memref<4x2x100xi32, #tpu.memory_space<vmem>> -> memref<1x1x100xi32, #tpu.memory_space<vmem>>
        %dma_wait3A_295 = tpu.memref_squeeze %dma_wait3A_294 : memref<1x1x100xi32, #tpu.memory_space<vmem>> -> memref<100xi32, #tpu.memory_space<vmem>>
        %dma_wait3A_296 = arith.constant 0 : i32
        %dma_wait3A_297 = arith.constant 0 : i32
        %dma_wait3A_298 = tpu.memref_slice %arg8[%dma_wait3A_296, %dma_wait3A_297] : memref<10112x128xf32, #tpu.memory_space<vmem_shared>> -> memref<10112x128xf32, #tpu.memory_space<vmem_shared>>
        tpu.wait_indirect_dma semaphore(%arg12 : memref<!tpu.dma_semaphore, #tpu.memory_space<semaphore_mem>>) src(%dma_wait3A_292 : memref<100x128xf32, #tpu.memory_space<vmem>>) dst(%dma_wait3A_298 : memref<10112x128xf32, #tpu.memory_space<vmem_shared>>)
      } else {
      }
      %add3A_75 = arith.constant 1 : i32
      %add3A_76 = arith.addi %add3A_72, %add3A_75 : i32
      %lt3A = arith.constant 100 : i32
      %lt3A_77 = arith.cmpi slt, %add3A_76, %lt3A : i32
      %convert_element_type3A_78 = arith.extui %lt3A_77 : i1 to i32
      %cond3A_79 = arith.constant 0 : i32
      %cond3A_80 = arith.cmpi ne, %convert_element_type3A_78, %cond3A_79 : i32
      scf.if %cond3A_80 {
        %add3A_286 = arith.constant 1 : i32
        %add3A_287 = arith.addi %add3A_72, %add3A_286 : i32
        %dma_wait3A_288 = arith.constant 1 : i32
        %dma_wait3A_289 = arith.constant 0 : i32
        %dma_wait3A_290 = arith.constant 0 : i32
        %dma_wait3A_291 = tpu.memref_slice %arg6[%dma_wait3A_288, %dma_wait3A_289, %dma_wait3A_290] : memref<4x2x100xi32, #tpu.memory_space<vmem>> -> memref<1x2x100xi32, #tpu.memory_space<vmem>>
        %dma_wait3A_292 = tpu.memref_squeeze %dma_wait3A_291 : memref<1x2x100xi32, #tpu.memory_space<vmem>> -> memref<2x100xi32, #tpu.memory_space<vmem>>
        %dma_wait3A_293 = arith.constant 0 : i32
        %dma_wait3A_294 = arith.constant 0 : i32
        %dma_wait3A_295 = tpu.memref_slice %arg3[%add3A, %add3A_287, %dma_wait3A_293, %dma_wait3A_294] : memref<32x100x2x100xi32, #tpu.memory_space<hbm>> -> memref<1x1x2x100xi32, #tpu.memory_space<hbm>>
        %dma_wait3A_296 = tpu.memref_squeeze %dma_wait3A_295 : memref<1x1x2x100xi32, #tpu.memory_space<hbm>> -> memref<2x100xi32, #tpu.memory_space<hbm>>
        %dma_wait3A_297 = arith.constant 0 : i32
        %dma_wait3A_298 = arith.constant 0 : i32
        %dma_wait3A_299 = tpu.memref_slice %arg6[%dma_wait3A_288, %dma_wait3A_297, %dma_wait3A_298] : memref<4x2x100xi32, #tpu.memory_space<vmem>> -> memref<1x2x100xi32, #tpu.memory_space<vmem>>
        %dma_wait3A_300 = tpu.memref_squeeze %dma_wait3A_299 : memref<1x2x100xi32, #tpu.memory_space<vmem>> -> memref<2x100xi32, #tpu.memory_space<vmem>>
        %dma_wait3A_301 = arith.constant 0 : i32
        %dma_wait3A_302 = arith.constant 0 : i32
        %dma_wait3A_303 = tpu.memref_slice %arg3[%add3A, %add3A_287, %dma_wait3A_301, %dma_wait3A_302] : memref<32x100x2x100xi32, #tpu.memory_space<hbm>> -> memref<1x1x2x100xi32, #tpu.memory_space<hbm>>
        %dma_wait3A_304 = tpu.memref_squeeze %dma_wait3A_303 : memref<1x1x2x100xi32, #tpu.memory_space<hbm>> -> memref<2x100xi32, #tpu.memory_space<hbm>>
        tpu.wait_dma2 semaphore(%arg14 : memref<!tpu.dma_semaphore, #tpu.memory_space<semaphore_mem>>) src(%dma_wait3A_304 : memref<2x100xi32, #tpu.memory_space<hbm>>) dst(%dma_wait3A_300 : memref<2x100xi32, #tpu.memory_space<vmem>>)
        %dma_start3A_305 = arith.constant 1 : i32
        %dma_start3A_306 = arith.constant 0 : i32
        %dma_start3A_307 = arith.constant 1 : i32
        %dma_start3A_308 = arith.constant 0 : i32
        %dma_start3A_309 = arith.constant 0 : i32
        %dma_start3A_310 = tpu.memref_slice %arg7[%dma_start3A_307, %dma_start3A_308, %dma_start3A_309] : memref<2x100x128xf32, #tpu.memory_space<vmem>> -> memref<1x100x128xf32, #tpu.memory_space<vmem>>
        %dma_start3A_311 = tpu.memref_squeeze %dma_start3A_310 : memref<1x100x128xf32, #tpu.memory_space<vmem>> -> memref<100x128xf32, #tpu.memory_space<vmem>>
        %dma_start3A_312 = arith.constant 0 : i32
        %dma_start3A_313 = tpu.memref_slice %arg6[%dma_start3A_305, %dma_start3A_306, %dma_start3A_312] : memref<4x2x100xi32, #tpu.memory_space<vmem>> -> memref<1x1x100xi32, #tpu.memory_space<vmem>>
        %dma_start3A_314 = tpu.memref_squeeze %dma_start3A_313 : memref<1x1x100xi32, #tpu.memory_space<vmem>> -> memref<100xi32, #tpu.memory_space<vmem>>
        %dma_start3A_315 = arith.constant 0 : i32
        %dma_start3A_316 = arith.constant 0 : i32
        %dma_start3A_317 = tpu.memref_slice %arg2[%dma_start3A_315, %dma_start3A_316] : memref<10000x128xf32, #tpu.memory_space<hbm>> -> memref<10000x128xf32, #tpu.memory_space<hbm>>
        tpu.enqueue_indirect_dma source(%dma_start3A_317 : memref<10000x128xf32, #tpu.memory_space<hbm>>) target(%dma_start3A_311 : memref<100x128xf32, #tpu.memory_space<vmem>>) offsets(%dma_start3A_314 : memref<100xi32, #tpu.memory_space<vmem>>) semaphore(%arg10 : memref<!tpu.dma_semaphore, #tpu.memory_space<semaphore_mem>>)
      } else {
      }
      %dma_wait3A_81 = arith.constant 0 : i32
      %dma_wait3A_82 = arith.constant 0 : i32
      %dma_wait3A_83 = arith.constant 0 : i32
      %dma_wait3A_84 = arith.constant 0 : i32
      %dma_wait3A_85 = arith.constant 0 : i32
      %dma_wait3A_86 = tpu.memref_slice %arg7[%dma_wait3A_83, %dma_wait3A_84, %dma_wait3A_85] : memref<2x100x128xf32, #tpu.memory_space<vmem>> -> memref<1x100x128xf32, #tpu.memory_space<vmem>>
      %dma_wait3A_87 = tpu.memref_squeeze %dma_wait3A_86 : memref<1x100x128xf32, #tpu.memory_space<vmem>> -> memref<100x128xf32, #tpu.memory_space<vmem>>
      %dma_wait3A_88 = arith.constant 0 : i32
      %dma_wait3A_89 = tpu.memref_slice %arg6[%dma_wait3A_81, %dma_wait3A_82, %dma_wait3A_88] : memref<4x2x100xi32, #tpu.memory_space<vmem>> -> memref<1x1x100xi32, #tpu.memory_space<vmem>>
      %dma_wait3A_90 = tpu.memref_squeeze %dma_wait3A_89 : memref<1x1x100xi32, #tpu.memory_space<vmem>> -> memref<100xi32, #tpu.memory_space<vmem>>
      %dma_wait3A_91 = arith.constant 0 : i32
      %dma_wait3A_92 = arith.constant 0 : i32
      %dma_wait3A_93 = tpu.memref_slice %arg2[%dma_wait3A_91, %dma_wait3A_92] : memref<10000x128xf32, #tpu.memory_space<hbm>> -> memref<10000x128xf32, #tpu.memory_space<hbm>>
      tpu.wait_indirect_dma semaphore(%arg9 : memref<!tpu.dma_semaphore, #tpu.memory_space<semaphore_mem>>) src(%dma_wait3A_93 : memref<10000x128xf32, #tpu.memory_space<hbm>>) dst(%dma_wait3A_87 : memref<100x128xf32, #tpu.memory_space<vmem>>)
      %dma_start3A_94 = arith.constant 0 : i32
      %dma_start3A_95 = arith.constant 0 : i32
      %dma_start3A_96 = arith.constant 1 : i32
      %dma_start3A_97 = arith.constant 0 : i32
      %dma_start3A_98 = arith.constant 0 : i32
      %dma_start3A_99 = tpu.memref_slice %arg7[%dma_start3A_94, %dma_start3A_97, %dma_start3A_98] : memref<2x100x128xf32, #tpu.memory_space<vmem>> -> memref<1x100x128xf32, #tpu.memory_space<vmem>>
      %dma_start3A_100 = tpu.memref_squeeze %dma_start3A_99 : memref<1x100x128xf32, #tpu.memory_space<vmem>> -> memref<100x128xf32, #tpu.memory_space<vmem>>
      %dma_start3A_101 = arith.constant 0 : i32
      %dma_start3A_102 = tpu.memref_slice %arg6[%dma_start3A_95, %dma_start3A_96, %dma_start3A_101] : memref<4x2x100xi32, #tpu.memory_space<vmem>> -> memref<1x1x100xi32, #tpu.memory_space<vmem>>
      %dma_start3A_103 = tpu.memref_squeeze %dma_start3A_102 : memref<1x1x100xi32, #tpu.memory_space<vmem>> -> memref<100xi32, #tpu.memory_space<vmem>>
      %dma_start3A_104 = arith.constant 0 : i32
      %dma_start3A_105 = arith.constant 0 : i32
      %dma_start3A_106 = tpu.memref_slice %arg8[%dma_start3A_104, %dma_start3A_105] : memref<10112x128xf32, #tpu.memory_space<vmem_shared>> -> memref<10112x128xf32, #tpu.memory_space<vmem_shared>>
      tpu.enqueue_indirect_dma source(%dma_start3A_100 : memref<100x128xf32, #tpu.memory_space<vmem>>) target(%dma_start3A_106 : memref<10112x128xf32, #tpu.memory_space<vmem_shared>>) offsets(%dma_start3A_103 : memref<100xi32, #tpu.memory_space<vmem>>) semaphore(%arg11 : memref<!tpu.dma_semaphore, #tpu.memory_space<semaphore_mem>>) {add = true}
      %add3A_107 = arith.constant 2 : i32
      %add3A_108 = arith.addi %add3A_72, %add3A_107 : i32
      %lt3A_109 = arith.constant 100 : i32
      %lt3A_110 = arith.cmpi slt, %add3A_108, %lt3A_109 : i32
      %convert_element_type3A_111 = arith.extui %lt3A_110 : i1 to i32
      %cond3A_112 = arith.constant 0 : i32
      %cond3A_113 = arith.cmpi ne, %convert_element_type3A_111, %cond3A_112 : i32
      scf.if %cond3A_113 {
        %add3A_286 = arith.constant 2 : i32
        %add3A_287 = arith.addi %add3A_72, %add3A_286 : i32
        %dma_start3A_288 = arith.constant 2 : i32
        %dma_start3A_289 = arith.constant 0 : i32
        %dma_start3A_290 = arith.constant 0 : i32
        %dma_start3A_291 = tpu.memref_slice %arg6[%dma_start3A_288, %dma_start3A_289, %dma_start3A_290] : memref<4x2x100xi32, #tpu.memory_space<vmem>> -> memref<1x2x100xi32, #tpu.memory_space<vmem>>
        %dma_start3A_292 = tpu.memref_squeeze %dma_start3A_291 : memref<1x2x100xi32, #tpu.memory_space<vmem>> -> memref<2x100xi32, #tpu.memory_space<vmem>>
        %dma_start3A_293 = arith.constant 0 : i32
        %dma_start3A_294 = arith.constant 0 : i32
        %dma_start3A_295 = tpu.memref_slice %arg3[%add3A, %add3A_287, %dma_start3A_293, %dma_start3A_294] : memref<32x100x2x100xi32, #tpu.memory_space<hbm>> -> memref<1x1x2x100xi32, #tpu.memory_space<hbm>>
        %dma_start3A_296 = tpu.memref_squeeze %dma_start3A_295 : memref<1x1x2x100xi32, #tpu.memory_space<hbm>> -> memref<2x100xi32, #tpu.memory_space<hbm>>
        %dma_start3A_297 = arith.constant 0 : i32
        %dma_start3A_298 = arith.constant 0 : i32
        %dma_start3A_299 = tpu.memref_slice %arg6[%dma_start3A_288, %dma_start3A_297, %dma_start3A_298] : memref<4x2x100xi32, #tpu.memory_space<vmem>> -> memref<1x2x100xi32, #tpu.memory_space<vmem>>
        %dma_start3A_300 = tpu.memref_squeeze %dma_start3A_299 : memref<1x2x100xi32, #tpu.memory_space<vmem>> -> memref<2x100xi32, #tpu.memory_space<vmem>>
        %dma_start3A_301 = arith.constant 0 : i32
        %dma_start3A_302 = arith.constant 0 : i32
        %dma_start3A_303 = tpu.memref_slice %arg3[%add3A, %add3A_287, %dma_start3A_301, %dma_start3A_302] : memref<32x100x2x100xi32, #tpu.memory_space<hbm>> -> memref<1x1x2x100xi32, #tpu.memory_space<hbm>>
        %dma_start3A_304 = tpu.memref_squeeze %dma_start3A_303 : memref<1x1x2x100xi32, #tpu.memory_space<hbm>> -> memref<2x100xi32, #tpu.memory_space<hbm>>
        tpu.enqueue_dma source(%dma_start3A_304 : memref<2x100xi32, #tpu.memory_space<hbm>>) target(%dma_start3A_300 : memref<2x100xi32, #tpu.memory_space<vmem>>) target_semaphore(%arg15 : memref<!tpu.dma_semaphore, #tpu.memory_space<semaphore_mem>>)
      } else {
      }
      %mul3A_114 = arith.constant 4 : i32
      %mul3A_115 = arith.muli %mul3A_114, %scan3A_67 : i32
      %add3A_116 = arith.constant 1 : i32
      %add3A_117 = arith.addi %mul3A_115, %add3A_116 : i32
      %dma_wait3A_118 = arith.constant 0 : i32
      %dma_wait3A_119 = arith.constant 0 : i32
      %dma_wait3A_120 = arith.constant 1 : i32
      %dma_wait3A_121 = arith.constant 0 : i32
      %dma_wait3A_122 = arith.constant 0 : i32
      %dma_wait3A_123 = tpu.memref_slice %arg7[%dma_wait3A_118, %dma_wait3A_121, %dma_wait3A_122] : memref<2x100x128xf32, #tpu.memory_space<vmem>> -> memref<1x100x128xf32, #tpu.memory_space<vmem>>
      %dma_wait3A_124 = tpu.memref_squeeze %dma_wait3A_123 : memref<1x100x128xf32, #tpu.memory_space<vmem>> -> memref<100x128xf32, #tpu.memory_space<vmem>>
      %dma_wait3A_125 = arith.constant 0 : i32
      %dma_wait3A_126 = tpu.memref_slice %arg6[%dma_wait3A_119, %dma_wait3A_120, %dma_wait3A_125] : memref<4x2x100xi32, #tpu.memory_space<vmem>> -> memref<1x1x100xi32, #tpu.memory_space<vmem>>
      %dma_wait3A_127 = tpu.memref_squeeze %dma_wait3A_126 : memref<1x1x100xi32, #tpu.memory_space<vmem>> -> memref<100xi32, #tpu.memory_space<vmem>>
      %dma_wait3A_128 = arith.constant 0 : i32
      %dma_wait3A_129 = arith.constant 0 : i32
      %dma_wait3A_130 = tpu.memref_slice %arg8[%dma_wait3A_128, %dma_wait3A_129] : memref<10112x128xf32, #tpu.memory_space<vmem_shared>> -> memref<10112x128xf32, #tpu.memory_space<vmem_shared>>
      tpu.wait_indirect_dma semaphore(%arg11 : memref<!tpu.dma_semaphore, #tpu.memory_space<semaphore_mem>>) src(%dma_wait3A_124 : memref<100x128xf32, #tpu.memory_space<vmem>>) dst(%dma_wait3A_130 : memref<10112x128xf32, #tpu.memory_space<vmem_shared>>)
      %add3A_131 = arith.constant 1 : i32
      %add3A_132 = arith.addi %add3A_117, %add3A_131 : i32
      %lt3A_133 = arith.constant 100 : i32
      %lt3A_134 = arith.cmpi slt, %add3A_132, %lt3A_133 : i32
      %convert_element_type3A_135 = arith.extui %lt3A_134 : i1 to i32
      %cond3A_136 = arith.constant 0 : i32
      %cond3A_137 = arith.cmpi ne, %convert_element_type3A_135, %cond3A_136 : i32
      scf.if %cond3A_137 {
        %add3A_286 = arith.constant 1 : i32
        %add3A_287 = arith.addi %add3A_117, %add3A_286 : i32
        %dma_wait3A_288 = arith.constant 2 : i32
        %dma_wait3A_289 = arith.constant 0 : i32
        %dma_wait3A_290 = arith.constant 0 : i32
        %dma_wait3A_291 = tpu.memref_slice %arg6[%dma_wait3A_288, %dma_wait3A_289, %dma_wait3A_290] : memref<4x2x100xi32, #tpu.memory_space<vmem>> -> memref<1x2x100xi32, #tpu.memory_space<vmem>>
        %dma_wait3A_292 = tpu.memref_squeeze %dma_wait3A_291 : memref<1x2x100xi32, #tpu.memory_space<vmem>> -> memref<2x100xi32, #tpu.memory_space<vmem>>
        %dma_wait3A_293 = arith.constant 0 : i32
        %dma_wait3A_294 = arith.constant 0 : i32
        %dma_wait3A_295 = tpu.memref_slice %arg3[%add3A, %add3A_287, %dma_wait3A_293, %dma_wait3A_294] : memref<32x100x2x100xi32, #tpu.memory_space<hbm>> -> memref<1x1x2x100xi32, #tpu.memory_space<hbm>>
        %dma_wait3A_296 = tpu.memref_squeeze %dma_wait3A_295 : memref<1x1x2x100xi32, #tpu.memory_space<hbm>> -> memref<2x100xi32, #tpu.memory_space<hbm>>
        %dma_wait3A_297 = arith.constant 0 : i32
        %dma_wait3A_298 = arith.constant 0 : i32
        %dma_wait3A_299 = tpu.memref_slice %arg6[%dma_wait3A_288, %dma_wait3A_297, %dma_wait3A_298] : memref<4x2x100xi32, #tpu.memory_space<vmem>> -> memref<1x2x100xi32, #tpu.memory_space<vmem>>
        %dma_wait3A_300 = tpu.memref_squeeze %dma_wait3A_299 : memref<1x2x100xi32, #tpu.memory_space<vmem>> -> memref<2x100xi32, #tpu.memory_space<vmem>>
        %dma_wait3A_301 = arith.constant 0 : i32
        %dma_wait3A_302 = arith.constant 0 : i32
        %dma_wait3A_303 = tpu.memref_slice %arg3[%add3A, %add3A_287, %dma_wait3A_301, %dma_wait3A_302] : memref<32x100x2x100xi32, #tpu.memory_space<hbm>> -> memref<1x1x2x100xi32, #tpu.memory_space<hbm>>
        %dma_wait3A_304 = tpu.memref_squeeze %dma_wait3A_303 : memref<1x1x2x100xi32, #tpu.memory_space<hbm>> -> memref<2x100xi32, #tpu.memory_space<hbm>>
        tpu.wait_dma2 semaphore(%arg15 : memref<!tpu.dma_semaphore, #tpu.memory_space<semaphore_mem>>) src(%dma_wait3A_304 : memref<2x100xi32, #tpu.memory_space<hbm>>) dst(%dma_wait3A_300 : memref<2x100xi32, #tpu.memory_space<vmem>>)
        %dma_start3A_305 = arith.constant 2 : i32
        %dma_start3A_306 = arith.constant 0 : i32
        %dma_start3A_307 = arith.constant 0 : i32
        %dma_start3A_308 = arith.constant 0 : i32
        %dma_start3A_309 = arith.constant 0 : i32
        %dma_start3A_310 = tpu.memref_slice %arg7[%dma_start3A_307, %dma_start3A_308, %dma_start3A_309] : memref<2x100x128xf32, #tpu.memory_space<vmem>> -> memref<1x100x128xf32, #tpu.memory_space<vmem>>
        %dma_start3A_311 = tpu.memref_squeeze %dma_start3A_310 : memref<1x100x128xf32, #tpu.memory_space<vmem>> -> memref<100x128xf32, #tpu.memory_space<vmem>>
        %dma_start3A_312 = arith.constant 0 : i32
        %dma_start3A_313 = tpu.memref_slice %arg6[%dma_start3A_305, %dma_start3A_306, %dma_start3A_312] : memref<4x2x100xi32, #tpu.memory_space<vmem>> -> memref<1x1x100xi32, #tpu.memory_space<vmem>>
        %dma_start3A_314 = tpu.memref_squeeze %dma_start3A_313 : memref<1x1x100xi32, #tpu.memory_space<vmem>> -> memref<100xi32, #tpu.memory_space<vmem>>
        %dma_start3A_315 = arith.constant 0 : i32
        %dma_start3A_316 = arith.constant 0 : i32
        %dma_start3A_317 = tpu.memref_slice %arg2[%dma_start3A_315, %dma_start3A_316] : memref<10000x128xf32, #tpu.memory_space<hbm>> -> memref<10000x128xf32, #tpu.memory_space<hbm>>
        tpu.enqueue_indirect_dma source(%dma_start3A_317 : memref<10000x128xf32, #tpu.memory_space<hbm>>) target(%dma_start3A_311 : memref<100x128xf32, #tpu.memory_space<vmem>>) offsets(%dma_start3A_314 : memref<100xi32, #tpu.memory_space<vmem>>) semaphore(%arg9 : memref<!tpu.dma_semaphore, #tpu.memory_space<semaphore_mem>>)
      } else {
      }
      %dma_wait3A_138 = arith.constant 1 : i32
      %dma_wait3A_139 = arith.constant 0 : i32
      %dma_wait3A_140 = arith.constant 1 : i32
      %dma_wait3A_141 = arith.constant 0 : i32
      %dma_wait3A_142 = arith.constant 0 : i32
      %dma_wait3A_143 = tpu.memref_slice %arg7[%dma_wait3A_140, %dma_wait3A_141, %dma_wait3A_142] : memref<2x100x128xf32, #tpu.memory_space<vmem>> -> memref<1x100x128xf32, #tpu.memory_space<vmem>>
      %dma_wait3A_144 = tpu.memref_squeeze %dma_wait3A_143 : memref<1x100x128xf32, #tpu.memory_space<vmem>> -> memref<100x128xf32, #tpu.memory_space<vmem>>
      %dma_wait3A_145 = arith.constant 0 : i32
      %dma_wait3A_146 = tpu.memref_slice %arg6[%dma_wait3A_138, %dma_wait3A_139, %dma_wait3A_145] : memref<4x2x100xi32, #tpu.memory_space<vmem>> -> memref<1x1x100xi32, #tpu.memory_space<vmem>>
      %dma_wait3A_147 = tpu.memref_squeeze %dma_wait3A_146 : memref<1x1x100xi32, #tpu.memory_space<vmem>> -> memref<100xi32, #tpu.memory_space<vmem>>
      %dma_wait3A_148 = arith.constant 0 : i32
      %dma_wait3A_149 = arith.constant 0 : i32
      %dma_wait3A_150 = tpu.memref_slice %arg2[%dma_wait3A_148, %dma_wait3A_149] : memref<10000x128xf32, #tpu.memory_space<hbm>> -> memref<10000x128xf32, #tpu.memory_space<hbm>>
      tpu.wait_indirect_dma semaphore(%arg10 : memref<!tpu.dma_semaphore, #tpu.memory_space<semaphore_mem>>) src(%dma_wait3A_150 : memref<10000x128xf32, #tpu.memory_space<hbm>>) dst(%dma_wait3A_144 : memref<100x128xf32, #tpu.memory_space<vmem>>)
      %dma_start3A_151 = arith.constant 1 : i32
      %dma_start3A_152 = arith.constant 1 : i32
      %dma_start3A_153 = arith.constant 1 : i32
      %dma_start3A_154 = arith.constant 0 : i32
      %dma_start3A_155 = arith.constant 0 : i32
      %dma_start3A_156 = tpu.memref_slice %arg7[%dma_start3A_151, %dma_start3A_154, %dma_start3A_155] : memref<2x100x128xf32, #tpu.memory_space<vmem>> -> memref<1x100x128xf32, #tpu.memory_space<vmem>>
      %dma_start3A_157 = tpu.memref_squeeze %dma_start3A_156 : memref<1x100x128xf32, #tpu.memory_space<vmem>> -> memref<100x128xf32, #tpu.memory_space<vmem>>
      %dma_start3A_158 = arith.constant 0 : i32
      %dma_start3A_159 = tpu.memref_slice %arg6[%dma_start3A_152, %dma_start3A_153, %dma_start3A_158] : memref<4x2x100xi32, #tpu.memory_space<vmem>> -> memref<1x1x100xi32, #tpu.memory_space<vmem>>
      %dma_start3A_160 = tpu.memref_squeeze %dma_start3A_159 : memref<1x1x100xi32, #tpu.memory_space<vmem>> -> memref<100xi32, #tpu.memory_space<vmem>>
      %dma_start3A_161 = arith.constant 0 : i32
      %dma_start3A_162 = arith.constant 0 : i32
      %dma_start3A_163 = tpu.memref_slice %arg8[%dma_start3A_161, %dma_start3A_162] : memref<10112x128xf32, #tpu.memory_space<vmem_shared>> -> memref<10112x128xf32, #tpu.memory_space<vmem_shared>>
      tpu.enqueue_indirect_dma source(%dma_start3A_157 : memref<100x128xf32, #tpu.memory_space<vmem>>) target(%dma_start3A_163 : memref<10112x128xf32, #tpu.memory_space<vmem_shared>>) offsets(%dma_start3A_160 : memref<100xi32, #tpu.memory_space<vmem>>) semaphore(%arg12 : memref<!tpu.dma_semaphore, #tpu.memory_space<semaphore_mem>>) {add = true}
      %add3A_164 = arith.constant 2 : i32
      %add3A_165 = arith.addi %add3A_117, %add3A_164 : i32
      %lt3A_166 = arith.constant 100 : i32
      %lt3A_167 = arith.cmpi slt, %add3A_165, %lt3A_166 : i32
      %convert_element_type3A_168 = arith.extui %lt3A_167 : i1 to i32
      %cond3A_169 = arith.constant 0 : i32
      %cond3A_170 = arith.cmpi ne, %convert_element_type3A_168, %cond3A_169 : i32
      scf.if %cond3A_170 {
        %add3A_286 = arith.constant 2 : i32
        %add3A_287 = arith.addi %add3A_117, %add3A_286 : i32
        %dma_start3A_288 = arith.constant 3 : i32
        %dma_start3A_289 = arith.constant 0 : i32
        %dma_start3A_290 = arith.constant 0 : i32
        %dma_start3A_291 = tpu.memref_slice %arg6[%dma_start3A_288, %dma_start3A_289, %dma_start3A_290] : memref<4x2x100xi32, #tpu.memory_space<vmem>> -> memref<1x2x100xi32, #tpu.memory_space<vmem>>
        %dma_start3A_292 = tpu.memref_squeeze %dma_start3A_291 : memref<1x2x100xi32, #tpu.memory_space<vmem>> -> memref<2x100xi32, #tpu.memory_space<vmem>>
        %dma_start3A_293 = arith.constant 0 : i32
        %dma_start3A_294 = arith.constant 0 : i32
        %dma_start3A_295 = tpu.memref_slice %arg3[%add3A, %add3A_287, %dma_start3A_293, %dma_start3A_294] : memref<32x100x2x100xi32, #tpu.memory_space<hbm>> -> memref<1x1x2x100xi32, #tpu.memory_space<hbm>>
        %dma_start3A_296 = tpu.memref_squeeze %dma_start3A_295 : memref<1x1x2x100xi32, #tpu.memory_space<hbm>> -> memref<2x100xi32, #tpu.memory_space<hbm>>
        %dma_start3A_297 = arith.constant 0 : i32
        %dma_start3A_298 = arith.constant 0 : i32
        %dma_start3A_299 = tpu.memref_slice %arg6[%dma_start3A_288, %dma_start3A_297, %dma_start3A_298] : memref<4x2x100xi32, #tpu.memory_space<vmem>> -> memref<1x2x100xi32, #tpu.memory_space<vmem>>
        %dma_start3A_300 = tpu.memref_squeeze %dma_start3A_299 : memref<1x2x100xi32, #tpu.memory_space<vmem>> -> memref<2x100xi32, #tpu.memory_space<vmem>>
        %dma_start3A_301 = arith.constant 0 : i32
        %dma_start3A_302 = arith.constant 0 : i32
        %dma_start3A_303 = tpu.memref_slice %arg3[%add3A, %add3A_287, %dma_start3A_301, %dma_start3A_302] : memref<32x100x2x100xi32, #tpu.memory_space<hbm>> -> memref<1x1x2x100xi32, #tpu.memory_space<hbm>>
        %dma_start3A_304 = tpu.memref_squeeze %dma_start3A_303 : memref<1x1x2x100xi32, #tpu.memory_space<hbm>> -> memref<2x100xi32, #tpu.memory_space<hbm>>
        tpu.enqueue_dma source(%dma_start3A_304 : memref<2x100xi32, #tpu.memory_space<hbm>>) target(%dma_start3A_300 : memref<2x100xi32, #tpu.memory_space<vmem>>) target_semaphore(%arg16 : memref<!tpu.dma_semaphore, #tpu.memory_space<semaphore_mem>>)
      } else {
      }
      %mul3A_171 = arith.constant 4 : i32
      %mul3A_172 = arith.muli %mul3A_171, %scan3A_67 : i32
      %add3A_173 = arith.constant 2 : i32
      %add3A_174 = arith.addi %mul3A_172, %add3A_173 : i32
      %dma_wait3A_175 = arith.constant 1 : i32
      %dma_wait3A_176 = arith.constant 1 : i32
      %dma_wait3A_177 = arith.constant 1 : i32
      %dma_wait3A_178 = arith.constant 0 : i32
      %dma_wait3A_179 = arith.constant 0 : i32
      %dma_wait3A_180 = tpu.memref_slice %arg7[%dma_wait3A_175, %dma_wait3A_178, %dma_wait3A_179] : memref<2x100x128xf32, #tpu.memory_space<vmem>> -> memref<1x100x128xf32, #tpu.memory_space<vmem>>
      %dma_wait3A_181 = tpu.memref_squeeze %dma_wait3A_180 : memref<1x100x128xf32, #tpu.memory_space<vmem>> -> memref<100x128xf32, #tpu.memory_space<vmem>>
      %dma_wait3A_182 = arith.constant 0 : i32
      %dma_wait3A_183 = tpu.memref_slice %arg6[%dma_wait3A_176, %dma_wait3A_177, %dma_wait3A_182] : memref<4x2x100xi32, #tpu.memory_space<vmem>> -> memref<1x1x100xi32, #tpu.memory_space<vmem>>
      %dma_wait3A_184 = tpu.memref_squeeze %dma_wait3A_183 : memref<1x1x100xi32, #tpu.memory_space<vmem>> -> memref<100xi32, #tpu.memory_space<vmem>>
      %dma_wait3A_185 = arith.constant 0 : i32
      %dma_wait3A_186 = arith.constant 0 : i32
      %dma_wait3A_187 = tpu.memref_slice %arg8[%dma_wait3A_185, %dma_wait3A_186] : memref<10112x128xf32, #tpu.memory_space<vmem_shared>> -> memref<10112x128xf32, #tpu.memory_space<vmem_shared>>
      tpu.wait_indirect_dma semaphore(%arg12 : memref<!tpu.dma_semaphore, #tpu.memory_space<semaphore_mem>>) src(%dma_wait3A_181 : memref<100x128xf32, #tpu.memory_space<vmem>>) dst(%dma_wait3A_187 : memref<10112x128xf32, #tpu.memory_space<vmem_shared>>)
      %add3A_188 = arith.constant 1 : i32
      %add3A_189 = arith.addi %add3A_174, %add3A_188 : i32
      %lt3A_190 = arith.constant 100 : i32
      %lt3A_191 = arith.cmpi slt, %add3A_189, %lt3A_190 : i32
      %convert_element_type3A_192 = arith.extui %lt3A_191 : i1 to i32
      %cond3A_193 = arith.constant 0 : i32
      %cond3A_194 = arith.cmpi ne, %convert_element_type3A_192, %cond3A_193 : i32
      scf.if %cond3A_194 {
        %add3A_286 = arith.constant 1 : i32
        %add3A_287 = arith.addi %add3A_174, %add3A_286 : i32
        %dma_wait3A_288 = arith.constant 3 : i32
        %dma_wait3A_289 = arith.constant 0 : i32
        %dma_wait3A_290 = arith.constant 0 : i32
        %dma_wait3A_291 = tpu.memref_slice %arg6[%dma_wait3A_288, %dma_wait3A_289, %dma_wait3A_290] : memref<4x2x100xi32, #tpu.memory_space<vmem>> -> memref<1x2x100xi32, #tpu.memory_space<vmem>>
        %dma_wait3A_292 = tpu.memref_squeeze %dma_wait3A_291 : memref<1x2x100xi32, #tpu.memory_space<vmem>> -> memref<2x100xi32, #tpu.memory_space<vmem>>
        %dma_wait3A_293 = arith.constant 0 : i32
        %dma_wait3A_294 = arith.constant 0 : i32
        %dma_wait3A_295 = tpu.memref_slice %arg3[%add3A, %add3A_287, %dma_wait3A_293, %dma_wait3A_294] : memref<32x100x2x100xi32, #tpu.memory_space<hbm>> -> memref<1x1x2x100xi32, #tpu.memory_space<hbm>>
        %dma_wait3A_296 = tpu.memref_squeeze %dma_wait3A_295 : memref<1x1x2x100xi32, #tpu.memory_space<hbm>> -> memref<2x100xi32, #tpu.memory_space<hbm>>
        %dma_wait3A_297 = arith.constant 0 : i32
        %dma_wait3A_298 = arith.constant 0 : i32
        %dma_wait3A_299 = tpu.memref_slice %arg6[%dma_wait3A_288, %dma_wait3A_297, %dma_wait3A_298] : memref<4x2x100xi32, #tpu.memory_space<vmem>> -> memref<1x2x100xi32, #tpu.memory_space<vmem>>
        %dma_wait3A_300 = tpu.memref_squeeze %dma_wait3A_299 : memref<1x2x100xi32, #tpu.memory_space<vmem>> -> memref<2x100xi32, #tpu.memory_space<vmem>>
        %dma_wait3A_301 = arith.constant 0 : i32
        %dma_wait3A_302 = arith.constant 0 : i32
        %dma_wait3A_303 = tpu.memref_slice %arg3[%add3A, %add3A_287, %dma_wait3A_301, %dma_wait3A_302] : memref<32x100x2x100xi32, #tpu.memory_space<hbm>> -> memref<1x1x2x100xi32, #tpu.memory_space<hbm>>
        %dma_wait3A_304 = tpu.memref_squeeze %dma_wait3A_303 : memref<1x1x2x100xi32, #tpu.memory_space<hbm>> -> memref<2x100xi32, #tpu.memory_space<hbm>>
        tpu.wait_dma2 semaphore(%arg16 : memref<!tpu.dma_semaphore, #tpu.memory_space<semaphore_mem>>) src(%dma_wait3A_304 : memref<2x100xi32, #tpu.memory_space<hbm>>) dst(%dma_wait3A_300 : memref<2x100xi32, #tpu.memory_space<vmem>>)
        %dma_start3A_305 = arith.constant 3 : i32
        %dma_start3A_306 = arith.constant 0 : i32
        %dma_start3A_307 = arith.constant 1 : i32
        %dma_start3A_308 = arith.constant 0 : i32
        %dma_start3A_309 = arith.constant 0 : i32
        %dma_start3A_310 = tpu.memref_slice %arg7[%dma_start3A_307, %dma_start3A_308, %dma_start3A_309] : memref<2x100x128xf32, #tpu.memory_space<vmem>> -> memref<1x100x128xf32, #tpu.memory_space<vmem>>
        %dma_start3A_311 = tpu.memref_squeeze %dma_start3A_310 : memref<1x100x128xf32, #tpu.memory_space<vmem>> -> memref<100x128xf32, #tpu.memory_space<vmem>>
        %dma_start3A_312 = arith.constant 0 : i32
        %dma_start3A_313 = tpu.memref_slice %arg6[%dma_start3A_305, %dma_start3A_306, %dma_start3A_312] : memref<4x2x100xi32, #tpu.memory_space<vmem>> -> memref<1x1x100xi32, #tpu.memory_space<vmem>>
        %dma_start3A_314 = tpu.memref_squeeze %dma_start3A_313 : memref<1x1x100xi32, #tpu.memory_space<vmem>> -> memref<100xi32, #tpu.memory_space<vmem>>
        %dma_start3A_315 = arith.constant 0 : i32
        %dma_start3A_316 = arith.constant 0 : i32
        %dma_start3A_317 = tpu.memref_slice %arg2[%dma_start3A_315, %dma_start3A_316] : memref<10000x128xf32, #tpu.memory_space<hbm>> -> memref<10000x128xf32, #tpu.memory_space<hbm>>
        tpu.enqueue_indirect_dma source(%dma_start3A_317 : memref<10000x128xf32, #tpu.memory_space<hbm>>) target(%dma_start3A_311 : memref<100x128xf32, #tpu.memory_space<vmem>>) offsets(%dma_start3A_314 : memref<100xi32, #tpu.memory_space<vmem>>) semaphore(%arg10 : memref<!tpu.dma_semaphore, #tpu.memory_space<semaphore_mem>>)
      } else {
      }
      %dma_wait3A_195 = arith.constant 2 : i32
      %dma_wait3A_196 = arith.constant 0 : i32
      %dma_wait3A_197 = arith.constant 0 : i32
      %dma_wait3A_198 = arith.constant 0 : i32
      %dma_wait3A_199 = arith.constant 0 : i32
      %dma_wait3A_200 = tpu.memref_slice %arg7[%dma_wait3A_197, %dma_wait3A_198, %dma_wait3A_199] : memref<2x100x128xf32, #tpu.memory_space<vmem>> -> memref<1x100x128xf32, #tpu.memory_space<vmem>>
      %dma_wait3A_201 = tpu.memref_squeeze %dma_wait3A_200 : memref<1x100x128xf32, #tpu.memory_space<vmem>> -> memref<100x128xf32, #tpu.memory_space<vmem>>
      %dma_wait3A_202 = arith.constant 0 : i32
      %dma_wait3A_203 = tpu.memref_slice %arg6[%dma_wait3A_195, %dma_wait3A_196, %dma_wait3A_202] : memref<4x2x100xi32, #tpu.memory_space<vmem>> -> memref<1x1x100xi32, #tpu.memory_space<vmem>>
      %dma_wait3A_204 = tpu.memref_squeeze %dma_wait3A_203 : memref<1x1x100xi32, #tpu.memory_space<vmem>> -> memref<100xi32, #tpu.memory_space<vmem>>
      %dma_wait3A_205 = arith.constant 0 : i32
      %dma_wait3A_206 = arith.constant 0 : i32
      %dma_wait3A_207 = tpu.memref_slice %arg2[%dma_wait3A_205, %dma_wait3A_206] : memref<10000x128xf32, #tpu.memory_space<hbm>> -> memref<10000x128xf32, #tpu.memory_space<hbm>>
      tpu.wait_indirect_dma semaphore(%arg9 : memref<!tpu.dma_semaphore, #tpu.memory_space<semaphore_mem>>) src(%dma_wait3A_207 : memref<10000x128xf32, #tpu.memory_space<hbm>>) dst(%dma_wait3A_201 : memref<100x128xf32, #tpu.memory_space<vmem>>)
      %dma_start3A_208 = arith.constant 0 : i32
      %dma_start3A_209 = arith.constant 2 : i32
      %dma_start3A_210 = arith.constant 1 : i32
      %dma_start3A_211 = arith.constant 0 : i32
      %dma_start3A_212 = arith.constant 0 : i32
      %dma_start3A_213 = tpu.memref_slice %arg7[%dma_start3A_208, %dma_start3A_211, %dma_start3A_212] : memref<2x100x128xf32, #tpu.memory_space<vmem>> -> memref<1x100x128xf32, #tpu.memory_space<vmem>>
      %dma_start3A_214 = tpu.memref_squeeze %dma_start3A_213 : memref<1x100x128xf32, #tpu.memory_space<vmem>> -> memref<100x128xf32, #tpu.memory_space<vmem>>
      %dma_start3A_215 = arith.constant 0 : i32
      %dma_start3A_216 = tpu.memref_slice %arg6[%dma_start3A_209, %dma_start3A_210, %dma_start3A_215] : memref<4x2x100xi32, #tpu.memory_space<vmem>> -> memref<1x1x100xi32, #tpu.memory_space<vmem>>
      %dma_start3A_217 = tpu.memref_squeeze %dma_start3A_216 : memref<1x1x100xi32, #tpu.memory_space<vmem>> -> memref<100xi32, #tpu.memory_space<vmem>>
      %dma_start3A_218 = arith.constant 0 : i32
      %dma_start3A_219 = arith.constant 0 : i32
      %dma_start3A_220 = tpu.memref_slice %arg8[%dma_start3A_218, %dma_start3A_219] : memref<10112x128xf32, #tpu.memory_space<vmem_shared>> -> memref<10112x128xf32, #tpu.memory_space<vmem_shared>>
      tpu.enqueue_indirect_dma source(%dma_start3A_214 : memref<100x128xf32, #tpu.memory_space<vmem>>) target(%dma_start3A_220 : memref<10112x128xf32, #tpu.memory_space<vmem_shared>>) offsets(%dma_start3A_217 : memref<100xi32, #tpu.memory_space<vmem>>) semaphore(%arg11 : memref<!tpu.dma_semaphore, #tpu.memory_space<semaphore_mem>>) {add = true}
      %add3A_221 = arith.constant 2 : i32
      %add3A_222 = arith.addi %add3A_174, %add3A_221 : i32
      %lt3A_223 = arith.constant 100 : i32
      %lt3A_224 = arith.cmpi slt, %add3A_222, %lt3A_223 : i32
      %convert_element_type3A_225 = arith.extui %lt3A_224 : i1 to i32
      %cond3A_226 = arith.constant 0 : i32
      %cond3A_227 = arith.cmpi ne, %convert_element_type3A_225, %cond3A_226 : i32
      scf.if %cond3A_227 {
        %add3A_286 = arith.constant 2 : i32
        %add3A_287 = arith.addi %add3A_174, %add3A_286 : i32
        %dma_start3A_288 = arith.constant 0 : i32
        %dma_start3A_289 = arith.constant 0 : i32
        %dma_start3A_290 = arith.constant 0 : i32
        %dma_start3A_291 = tpu.memref_slice %arg6[%dma_start3A_288, %dma_start3A_289, %dma_start3A_290] : memref<4x2x100xi32, #tpu.memory_space<vmem>> -> memref<1x2x100xi32, #tpu.memory_space<vmem>>
        %dma_start3A_292 = tpu.memref_squeeze %dma_start3A_291 : memref<1x2x100xi32, #tpu.memory_space<vmem>> -> memref<2x100xi32, #tpu.memory_space<vmem>>
        %dma_start3A_293 = arith.constant 0 : i32
        %dma_start3A_294 = arith.constant 0 : i32
        %dma_start3A_295 = tpu.memref_slice %arg3[%add3A, %add3A_287, %dma_start3A_293, %dma_start3A_294] : memref<32x100x2x100xi32, #tpu.memory_space<hbm>> -> memref<1x1x2x100xi32, #tpu.memory_space<hbm>>
        %dma_start3A_296 = tpu.memref_squeeze %dma_start3A_295 : memref<1x1x2x100xi32, #tpu.memory_space<hbm>> -> memref<2x100xi32, #tpu.memory_space<hbm>>
        %dma_start3A_297 = arith.constant 0 : i32
        %dma_start3A_298 = arith.constant 0 : i32
        %dma_start3A_299 = tpu.memref_slice %arg6[%dma_start3A_288, %dma_start3A_297, %dma_start3A_298] : memref<4x2x100xi32, #tpu.memory_space<vmem>> -> memref<1x2x100xi32, #tpu.memory_space<vmem>>
        %dma_start3A_300 = tpu.memref_squeeze %dma_start3A_299 : memref<1x2x100xi32, #tpu.memory_space<vmem>> -> memref<2x100xi32, #tpu.memory_space<vmem>>
        %dma_start3A_301 = arith.constant 0 : i32
        %dma_start3A_302 = arith.constant 0 : i32
        %dma_start3A_303 = tpu.memref_slice %arg3[%add3A, %add3A_287, %dma_start3A_301, %dma_start3A_302] : memref<32x100x2x100xi32, #tpu.memory_space<hbm>> -> memref<1x1x2x100xi32, #tpu.memory_space<hbm>>
        %dma_start3A_304 = tpu.memref_squeeze %dma_start3A_303 : memref<1x1x2x100xi32, #tpu.memory_space<hbm>> -> memref<2x100xi32, #tpu.memory_space<hbm>>
        tpu.enqueue_dma source(%dma_start3A_304 : memref<2x100xi32, #tpu.memory_space<hbm>>) target(%dma_start3A_300 : memref<2x100xi32, #tpu.memory_space<vmem>>) target_semaphore(%arg13 : memref<!tpu.dma_semaphore, #tpu.memory_space<semaphore_mem>>)
      } else {
      }
      %mul3A_228 = arith.constant 4 : i32
      %mul3A_229 = arith.muli %mul3A_228, %scan3A_67 : i32
      %add3A_230 = arith.constant 3 : i32
      %add3A_231 = arith.addi %mul3A_229, %add3A_230 : i32
      %dma_wait3A_232 = arith.constant 0 : i32
      %dma_wait3A_233 = arith.constant 2 : i32
      %dma_wait3A_234 = arith.constant 1 : i32
      %dma_wait3A_235 = arith.constant 0 : i32
      %dma_wait3A_236 = arith.constant 0 : i32
      %dma_wait3A_237 = tpu.memref_slice %arg7[%dma_wait3A_232, %dma_wait3A_235, %dma_wait3A_236] : memref<2x100x128xf32, #tpu.memory_space<vmem>> -> memref<1x100x128xf32, #tpu.memory_space<vmem>>
      %dma_wait3A_238 = tpu.memref_squeeze %dma_wait3A_237 : memref<1x100x128xf32, #tpu.memory_space<vmem>> -> memref<100x128xf32, #tpu.memory_space<vmem>>
      %dma_wait3A_239 = arith.constant 0 : i32
      %dma_wait3A_240 = tpu.memref_slice %arg6[%dma_wait3A_233, %dma_wait3A_234, %dma_wait3A_239] : memref<4x2x100xi32, #tpu.memory_space<vmem>> -> memref<1x1x100xi32, #tpu.memory_space<vmem>>
      %dma_wait3A_241 = tpu.memref_squeeze %dma_wait3A_240 : memref<1x1x100xi32, #tpu.memory_space<vmem>> -> memref<100xi32, #tpu.memory_space<vmem>>
      %dma_wait3A_242 = arith.constant 0 : i32
      %dma_wait3A_243 = arith.constant 0 : i32
      %dma_wait3A_244 = tpu.memref_slice %arg8[%dma_wait3A_242, %dma_wait3A_243] : memref<10112x128xf32, #tpu.memory_space<vmem_shared>> -> memref<10112x128xf32, #tpu.memory_space<vmem_shared>>
      tpu.wait_indirect_dma semaphore(%arg11 : memref<!tpu.dma_semaphore, #tpu.memory_space<semaphore_mem>>) src(%dma_wait3A_238 : memref<100x128xf32, #tpu.memory_space<vmem>>) dst(%dma_wait3A_244 : memref<10112x128xf32, #tpu.memory_space<vmem_shared>>)
      %add3A_245 = arith.constant 1 : i32
      %add3A_246 = arith.addi %add3A_231, %add3A_245 : i32
      %lt3A_247 = arith.constant 100 : i32
      %lt3A_248 = arith.cmpi slt, %add3A_246, %lt3A_247 : i32
      %convert_element_type3A_249 = arith.extui %lt3A_248 : i1 to i32
      %cond3A_250 = arith.constant 0 : i32
      %cond3A_251 = arith.cmpi ne, %convert_element_type3A_249, %cond3A_250 : i32
      scf.if %cond3A_251 {
        %add3A_286 = arith.constant 1 : i32
        %add3A_287 = arith.addi %add3A_231, %add3A_286 : i32
        %dma_wait3A_288 = arith.constant 0 : i32
        %dma_wait3A_289 = arith.constant 0 : i32
        %dma_wait3A_290 = arith.constant 0 : i32
        %dma_wait3A_291 = tpu.memref_slice %arg6[%dma_wait3A_288, %dma_wait3A_289, %dma_wait3A_290] : memref<4x2x100xi32, #tpu.memory_space<vmem>> -> memref<1x2x100xi32, #tpu.memory_space<vmem>>
        %dma_wait3A_292 = tpu.memref_squeeze %dma_wait3A_291 : memref<1x2x100xi32, #tpu.memory_space<vmem>> -> memref<2x100xi32, #tpu.memory_space<vmem>>
        %dma_wait3A_293 = arith.constant 0 : i32
        %dma_wait3A_294 = arith.constant 0 : i32
        %dma_wait3A_295 = tpu.memref_slice %arg3[%add3A, %add3A_287, %dma_wait3A_293, %dma_wait3A_294] : memref<32x100x2x100xi32, #tpu.memory_space<hbm>> -> memref<1x1x2x100xi32, #tpu.memory_space<hbm>>
        %dma_wait3A_296 = tpu.memref_squeeze %dma_wait3A_295 : memref<1x1x2x100xi32, #tpu.memory_space<hbm>> -> memref<2x100xi32, #tpu.memory_space<hbm>>
        %dma_wait3A_297 = arith.constant 0 : i32
        %dma_wait3A_298 = arith.constant 0 : i32
        %dma_wait3A_299 = tpu.memref_slice %arg6[%dma_wait3A_288, %dma_wait3A_297, %dma_wait3A_298] : memref<4x2x100xi32, #tpu.memory_space<vmem>> -> memref<1x2x100xi32, #tpu.memory_space<vmem>>
        %dma_wait3A_300 = tpu.memref_squeeze %dma_wait3A_299 : memref<1x2x100xi32, #tpu.memory_space<vmem>> -> memref<2x100xi32, #tpu.memory_space<vmem>>
        %dma_wait3A_301 = arith.constant 0 : i32
        %dma_wait3A_302 = arith.constant 0 : i32
        %dma_wait3A_303 = tpu.memref_slice %arg3[%add3A, %add3A_287, %dma_wait3A_301, %dma_wait3A_302] : memref<32x100x2x100xi32, #tpu.memory_space<hbm>> -> memref<1x1x2x100xi32, #tpu.memory_space<hbm>>
        %dma_wait3A_304 = tpu.memref_squeeze %dma_wait3A_303 : memref<1x1x2x100xi32, #tpu.memory_space<hbm>> -> memref<2x100xi32, #tpu.memory_space<hbm>>
        tpu.wait_dma2 semaphore(%arg13 : memref<!tpu.dma_semaphore, #tpu.memory_space<semaphore_mem>>) src(%dma_wait3A_304 : memref<2x100xi32, #tpu.memory_space<hbm>>) dst(%dma_wait3A_300 : memref<2x100xi32, #tpu.memory_space<vmem>>)
        %dma_start3A_305 = arith.constant 0 : i32
        %dma_start3A_306 = arith.constant 0 : i32
        %dma_start3A_307 = arith.constant 0 : i32
        %dma_start3A_308 = arith.constant 0 : i32
        %dma_start3A_309 = arith.constant 0 : i32
        %dma_start3A_310 = tpu.memref_slice %arg7[%dma_start3A_307, %dma_start3A_308, %dma_start3A_309] : memref<2x100x128xf32, #tpu.memory_space<vmem>> -> memref<1x100x128xf32, #tpu.memory_space<vmem>>
        %dma_start3A_311 = tpu.memref_squeeze %dma_start3A_310 : memref<1x100x128xf32, #tpu.memory_space<vmem>> -> memref<100x128xf32, #tpu.memory_space<vmem>>
        %dma_start3A_312 = arith.constant 0 : i32
        %dma_start3A_313 = tpu.memref_slice %arg6[%dma_start3A_305, %dma_start3A_306, %dma_start3A_312] : memref<4x2x100xi32, #tpu.memory_space<vmem>> -> memref<1x1x100xi32, #tpu.memory_space<vmem>>
        %dma_start3A_314 = tpu.memref_squeeze %dma_start3A_313 : memref<1x1x100xi32, #tpu.memory_space<vmem>> -> memref<100xi32, #tpu.memory_space<vmem>>
        %dma_start3A_315 = arith.constant 0 : i32
        %dma_start3A_316 = arith.constant 0 : i32
        %dma_start3A_317 = tpu.memref_slice %arg2[%dma_start3A_315, %dma_start3A_316] : memref<10000x128xf32, #tpu.memory_space<hbm>> -> memref<10000x128xf32, #tpu.memory_space<hbm>>
        tpu.enqueue_indirect_dma source(%dma_start3A_317 : memref<10000x128xf32, #tpu.memory_space<hbm>>) target(%dma_start3A_311 : memref<100x128xf32, #tpu.memory_space<vmem>>) offsets(%dma_start3A_314 : memref<100xi32, #tpu.memory_space<vmem>>) semaphore(%arg9 : memref<!tpu.dma_semaphore, #tpu.memory_space<semaphore_mem>>)
      } else {
      }
      %dma_wait3A_252 = arith.constant 3 : i32
      %dma_wait3A_253 = arith.constant 0 : i32
      %dma_wait3A_254 = arith.constant 1 : i32
      %dma_wait3A_255 = arith.constant 0 : i32
      %dma_wait3A_256 = arith.constant 0 : i32
      %dma_wait3A_257 = tpu.memref_slice %arg7[%dma_wait3A_254, %dma_wait3A_255, %dma_wait3A_256] : memref<2x100x128xf32, #tpu.memory_space<vmem>> -> memref<1x100x128xf32, #tpu.memory_space<vmem>>
      %dma_wait3A_258 = tpu.memref_squeeze %dma_wait3A_257 : memref<1x100x128xf32, #tpu.memory_space<vmem>> -> memref<100x128xf32, #tpu.memory_space<vmem>>
      %dma_wait3A_259 = arith.constant 0 : i32
      %dma_wait3A_260 = tpu.memref_slice %arg6[%dma_wait3A_252, %dma_wait3A_253, %dma_wait3A_259] : memref<4x2x100xi32, #tpu.memory_space<vmem>> -> memref<1x1x100xi32, #tpu.memory_space<vmem>>
      %dma_wait3A_261 = tpu.memref_squeeze %dma_wait3A_260 : memref<1x1x100xi32, #tpu.memory_space<vmem>> -> memref<100xi32, #tpu.memory_space<vmem>>
      %dma_wait3A_262 = arith.constant 0 : i32
      %dma_wait3A_263 = arith.constant 0 : i32
      %dma_wait3A_264 = tpu.memref_slice %arg2[%dma_wait3A_262, %dma_wait3A_263] : memref<10000x128xf32, #tpu.memory_space<hbm>> -> memref<10000x128xf32, #tpu.memory_space<hbm>>
      tpu.wait_indirect_dma semaphore(%arg10 : memref<!tpu.dma_semaphore, #tpu.memory_space<semaphore_mem>>) src(%dma_wait3A_264 : memref<10000x128xf32, #tpu.memory_space<hbm>>) dst(%dma_wait3A_258 : memref<100x128xf32, #tpu.memory_space<vmem>>)
      %dma_start3A_265 = arith.constant 1 : i32
      %dma_start3A_266 = arith.constant 3 : i32
      %dma_start3A_267 = arith.constant 1 : i32
      %dma_start3A_268 = arith.constant 0 : i32
      %dma_start3A_269 = arith.constant 0 : i32
      %dma_start3A_270 = tpu.memref_slice %arg7[%dma_start3A_265, %dma_start3A_268, %dma_start3A_269] : memref<2x100x128xf32, #tpu.memory_space<vmem>> -> memref<1x100x128xf32, #tpu.memory_space<vmem>>
      %dma_start3A_271 = tpu.memref_squeeze %dma_start3A_270 : memref<1x100x128xf32, #tpu.memory_space<vmem>> -> memref<100x128xf32, #tpu.memory_space<vmem>>
      %dma_start3A_272 = arith.constant 0 : i32
      %dma_start3A_273 = tpu.memref_slice %arg6[%dma_start3A_266, %dma_start3A_267, %dma_start3A_272] : memref<4x2x100xi32, #tpu.memory_space<vmem>> -> memref<1x1x100xi32, #tpu.memory_space<vmem>>
      %dma_start3A_274 = tpu.memref_squeeze %dma_start3A_273 : memref<1x1x100xi32, #tpu.memory_space<vmem>> -> memref<100xi32, #tpu.memory_space<vmem>>
      %dma_start3A_275 = arith.constant 0 : i32
      %dma_start3A_276 = arith.constant 0 : i32
      %dma_start3A_277 = tpu.memref_slice %arg8[%dma_start3A_275, %dma_start3A_276] : memref<10112x128xf32, #tpu.memory_space<vmem_shared>> -> memref<10112x128xf32, #tpu.memory_space<vmem_shared>>
      tpu.enqueue_indirect_dma source(%dma_start3A_271 : memref<100x128xf32, #tpu.memory_space<vmem>>) target(%dma_start3A_277 : memref<10112x128xf32, #tpu.memory_space<vmem_shared>>) offsets(%dma_start3A_274 : memref<100xi32, #tpu.memory_space<vmem>>) semaphore(%arg12 : memref<!tpu.dma_semaphore, #tpu.memory_space<semaphore_mem>>) {add = true}
      %add3A_278 = arith.constant 2 : i32
      %add3A_279 = arith.addi %add3A_231, %add3A_278 : i32
      %lt3A_280 = arith.constant 100 : i32
      %lt3A_281 = arith.cmpi slt, %add3A_279, %lt3A_280 : i32
      %convert_element_type3A_282 = arith.extui %lt3A_281 : i1 to i32
      %cond3A_283 = arith.constant 0 : i32
      %cond3A_284 = arith.cmpi ne, %convert_element_type3A_282, %cond3A_283 : i32
      scf.if %cond3A_284 {
        %add3A_286 = arith.constant 2 : i32
        %add3A_287 = arith.addi %add3A_231, %add3A_286 : i32
        %dma_start3A_288 = arith.constant 1 : i32
        %dma_start3A_289 = arith.constant 0 : i32
        %dma_start3A_290 = arith.constant 0 : i32
        %dma_start3A_291 = tpu.memref_slice %arg6[%dma_start3A_288, %dma_start3A_289, %dma_start3A_290] : memref<4x2x100xi32, #tpu.memory_space<vmem>> -> memref<1x2x100xi32, #tpu.memory_space<vmem>>
        %dma_start3A_292 = tpu.memref_squeeze %dma_start3A_291 : memref<1x2x100xi32, #tpu.memory_space<vmem>> -> memref<2x100xi32, #tpu.memory_space<vmem>>
        %dma_start3A_293 = arith.constant 0 : i32
        %dma_start3A_294 = arith.constant 0 : i32
        %dma_start3A_295 = tpu.memref_slice %arg3[%add3A, %add3A_287, %dma_start3A_293, %dma_start3A_294] : memref<32x100x2x100xi32, #tpu.memory_space<hbm>> -> memref<1x1x2x100xi32, #tpu.memory_space<hbm>>
        %dma_start3A_296 = tpu.memref_squeeze %dma_start3A_295 : memref<1x1x2x100xi32, #tpu.memory_space<hbm>> -> memref<2x100xi32, #tpu.memory_space<hbm>>
        %dma_start3A_297 = arith.constant 0 : i32
        %dma_start3A_298 = arith.constant 0 : i32
        %dma_start3A_299 = tpu.memref_slice %arg6[%dma_start3A_288, %dma_start3A_297, %dma_start3A_298] : memref<4x2x100xi32, #tpu.memory_space<vmem>> -> memref<1x2x100xi32, #tpu.memory_space<vmem>>
        %dma_start3A_300 = tpu.memref_squeeze %dma_start3A_299 : memref<1x2x100xi32, #tpu.memory_space<vmem>> -> memref<2x100xi32, #tpu.memory_space<vmem>>
        %dma_start3A_301 = arith.constant 0 : i32
        %dma_start3A_302 = arith.constant 0 : i32
        %dma_start3A_303 = tpu.memref_slice %arg3[%add3A, %add3A_287, %dma_start3A_301, %dma_start3A_302] : memref<32x100x2x100xi32, #tpu.memory_space<hbm>> -> memref<1x1x2x100xi32, #tpu.memory_space<hbm>>
        %dma_start3A_304 = tpu.memref_squeeze %dma_start3A_303 : memref<1x1x2x100xi32, #tpu.memory_space<hbm>> -> memref<2x100xi32, #tpu.memory_space<hbm>>
        tpu.enqueue_dma source(%dma_start3A_304 : memref<2x100xi32, #tpu.memory_space<hbm>>) target(%dma_start3A_300 : memref<2x100xi32, #tpu.memory_space<vmem>>) target_semaphore(%arg14 : memref<!tpu.dma_semaphore, #tpu.memory_space<semaphore_mem>>)
      } else {
      }
      %scan3A_285 = arith.constant 0 : i32
      scf.yield %scan3A_285 : i32
    }
    %scan3A_48 = arith.constant 25 : i32
    %dma_wait3A_49 = arith.constant 1 : i32
    %dma_wait3A_50 = arith.constant 3 : i32
    %dma_wait3A_51 = arith.constant 1 : i32
    %dma_wait3A_52 = arith.constant 0 : i32
    %dma_wait3A_53 = arith.constant 0 : i32
    %dma_wait3A_54 = tpu.memref_slice %arg7[%dma_wait3A_49, %dma_wait3A_52, %dma_wait3A_53] : memref<2x100x128xf32, #tpu.memory_space<vmem>> -> memref<1x100x128xf32, #tpu.memory_space<vmem>>
    %dma_wait3A_55 = tpu.memref_squeeze %dma_wait3A_54 : memref<1x100x128xf32, #tpu.memory_space<vmem>> -> memref<100x128xf32, #tpu.memory_space<vmem>>
    %dma_wait3A_56 = arith.constant 0 : i32
    %dma_wait3A_57 = tpu.memref_slice %arg6[%dma_wait3A_50, %dma_wait3A_51, %dma_wait3A_56] : memref<4x2x100xi32, #tpu.memory_space<vmem>> -> memref<1x1x100xi32, #tpu.memory_space<vmem>>
    %dma_wait3A_58 = tpu.memref_squeeze %dma_wait3A_57 : memref<1x1x100xi32, #tpu.memory_space<vmem>> -> memref<100xi32, #tpu.memory_space<vmem>>
    %dma_wait3A_59 = arith.constant 0 : i32
    %dma_wait3A_60 = arith.constant 0 : i32
    %dma_wait3A_61 = tpu.memref_slice %arg8[%dma_wait3A_59, %dma_wait3A_60] : memref<10112x128xf32, #tpu.memory_space<vmem_shared>> -> memref<10112x128xf32, #tpu.memory_space<vmem_shared>>
    tpu.wait_indirect_dma semaphore(%arg12 : memref<!tpu.dma_semaphore, #tpu.memory_space<semaphore_mem>>) src(%dma_wait3A_55 : memref<100x128xf32, #tpu.memory_space<vmem>>) dst(%dma_wait3A_61 : memref<10112x128xf32, #tpu.memory_space<vmem_shared>>)
    %barrier3A_62 = arith.constant 0 : index
    tpu.barrier barrier_id(%barrier3A_62)
    %mul3A_63 = arith.constant 632 : i32
    %mul3A_64 = arith.muli %arg1, %mul3A_63 : i32
    %mul3A_65 = arith.constant 632 : i32
    %mul3A_66 = arith.muli %arg1, %mul3A_65 : i32
    "tpu.region"() ({
      %run_scoped3A_67 = tpu.sem_alloc : memref<!tpu.dma_semaphore, #tpu.memory_space<semaphore_mem>>
      %dma_start3A_68 = arith.constant 0 : i32
      %dma_start3A_69 = tpu.memref_slice %arg5[%arg0, %mul3A_66, %dma_start3A_68] : memref<2x10112x128xf32, #tpu.memory_space<hbm>> -> memref<1x632x128xf32, #tpu.memory_space<hbm>>
      %dma_start3A_70 = tpu.memref_squeeze %dma_start3A_69 : memref<1x632x128xf32, #tpu.memory_space<hbm>> -> memref<632x128xf32, #tpu.memory_space<hbm>>
      %dma_start3A_71 = arith.constant 0 : i32
      %dma_start3A_72 = tpu.memref_slice %arg8[%mul3A_64, %dma_start3A_71] : memref<10112x128xf32, #tpu.memory_space<vmem_shared>> -> memref<632x128xf32, #tpu.memory_space<vmem_shared>>
      tpu.enqueue_dma source(%dma_start3A_72 : memref<632x128xf32, #tpu.memory_space<vmem_shared>>) target(%dma_start3A_70 : memref<632x128xf32, #tpu.memory_space<hbm>>) target_semaphore(%run_scoped3A_67 : memref<!tpu.dma_semaphore, #tpu.memory_space<semaphore_mem>>)
      %dma_wait3A_73 = arith.constant 0 : i32
      %dma_wait3A_74 = tpu.memref_slice %arg5[%arg0, %mul3A_66, %dma_wait3A_73] : memref<2x10112x128xf32, #tpu.memory_space<hbm>> -> memref<1x632x128xf32, #tpu.memory_space<hbm>>
      %dma_wait3A_75 = tpu.memref_squeeze %dma_wait3A_74 : memref<1x632x128xf32, #tpu.memory_space<hbm>> -> memref<632x128xf32, #tpu.memory_space<hbm>>
      %dma_wait3A_76 = arith.constant 0 : i32
      %dma_wait3A_77 = tpu.memref_slice %arg8[%mul3A_64, %dma_wait3A_76] : memref<10112x128xf32, #tpu.memory_space<vmem_shared>> -> memref<632x128xf32, #tpu.memory_space<vmem_shared>>
      tpu.wait_dma2 semaphore(%run_scoped3A_67 : memref<!tpu.dma_semaphore, #tpu.memory_space<semaphore_mem>>) src(%dma_wait3A_77 : memref<632x128xf32, #tpu.memory_space<vmem_shared>>) dst(%dma_wait3A_75 : memref<632x128xf32, #tpu.memory_space<hbm>>)
      tpu.yield
    }) : () -> ()
    return
  }
}

module attributes {stable_mosaic.version = 14 : i64} {
  func.func @_fused_mm_body(%arg0: i32, %arg1: memref<1x1000x128xf32, #tpu.memory_space<vmem>>, %arg2: memref<1x1000x128xf32, #tpu.memory_space<vmem>>, %arg3: memref<1x128xf32, #tpu.memory_space<vmem>>, %arg4: memref<128x128xf32, #tpu.memory_space<vmem>>, %arg5: memref<128x128xf32, #tpu.memory_space<vmem>>, %arg6: memref<1000x128xf32, #tpu.memory_space<vmem>>) attributes {dimension_semantics = [#tpu.dimension_semantics<arbitrary>], iteration_bounds = array<i64: 10>, scalar_prefetch = 0 : i64, scratch_operands = 0 : i64, tpu.core_type = #tpu.core_type<tc>, window_params = [{transform_indices = @transform_0, window_bounds = array<i64: 1, 1000, 128>}, {transform_indices = @transform_1, window_bounds = array<i64: 1, 1000, 128>}, {pipeline_mode = #tpu.pipeline_mode<synchronous>, transform_indices = @transform_2, window_bounds = array<i64: 1, 128>}, {pipeline_mode = #tpu.pipeline_mode<synchronous>, transform_indices = @transform_3, window_bounds = array<i64: 128, 128>}, {pipeline_mode = #tpu.pipeline_mode<synchronous>, transform_indices = @transform_4, window_bounds = array<i64: 128, 128>}, {transform_indices = @transform_5, window_bounds = array<i64: 1000, 128>}]} {
    %get3A = arith.constant 0 : index
    %get3A_0 = arith.constant 0 : index
    %get3A_1 = arith.constant 0 : index
    %get3A_2 = vector.load %arg1[%get3A, %get3A_0, %get3A_1] : memref<1x1000x128xf32, #tpu.memory_space<vmem>>, vector<1x1000x128xf32>
    %get3A_3 = vector.shape_cast %get3A_2 : vector<1x1000x128xf32> to vector<1000x128xf32>
    %get3A_4 = arith.constant 0 : index
    %get3A_5 = arith.constant 0 : index
    %get3A_6 = arith.constant 0 : index
    %get3A_7 = vector.load %arg2[%get3A_4, %get3A_5, %get3A_6] : memref<1x1000x128xf32, #tpu.memory_space<vmem>>, vector<1x1000x128xf32>
    %get3A_8 = vector.shape_cast %get3A_7 : vector<1x1000x128xf32> to vector<1000x128xf32>
    %add3A = arith.addf %get3A_3, %get3A_8 : vector<1000x128xf32>
    %get3A_9 = arith.constant 0 : index
    %get3A_10 = arith.constant 0 : index
    %get3A_11 = vector.load %arg4[%get3A_9, %get3A_10] : memref<128x128xf32, #tpu.memory_space<vmem>>, vector<128x128xf32>
    %dot_general3A = arith.constant dense<0.000000e+00> : vector<1000x128xf32>
    %dot_general3A_12 = tpu.matmul %add3A, %get3A_11, %dot_general3A {dimension_numbers = #tpu.dot_dimension_numbers<[1], [0], [0], [1], [0, 0, 1, 1], [], []>, transpose_lhs_hint = false} : vector<1000x128xf32>, vector<128x128xf32>, vector<1000x128xf32> -> vector<1000x128xf32>
    %get3A_13 = arith.constant 0 : index
    %get3A_14 = arith.constant 0 : index
    %get3A_15 = vector.load %arg3[%get3A_13, %get3A_14] : memref<1x128xf32, #tpu.memory_space<vmem>>, vector<1x128xf32>
    %add3A_16 = vector.broadcast %get3A_15 : vector<1x128xf32> to vector<1000x128xf32>
    %add3A_17 = arith.addf %dot_general3A_12, %add3A_16 : vector<1000x128xf32>
    %max3A = arith.constant 0.000000e+00 : f32
    %max3A_18 = vector.broadcast %max3A : f32 to vector<1000x128xf32>
    %max3A_19 = arith.maximumf %add3A_17, %max3A_18 : vector<1000x128xf32>
    %get3A_20 = arith.constant 0 : index
    %get3A_21 = arith.constant 0 : index
    %get3A_22 = vector.load %arg5[%get3A_20, %get3A_21] : memref<128x128xf32, #tpu.memory_space<vmem>>, vector<128x128xf32>
    %dot_general3A_23 = arith.constant dense<0.000000e+00> : vector<1000x128xf32>
    %dot_general3A_24 = tpu.matmul %max3A_19, %get3A_22, %dot_general3A_23 {dimension_numbers = #tpu.dot_dimension_numbers<[1], [0], [0], [1], [0, 0, 1, 1], [], []>, transpose_lhs_hint = false} : vector<1000x128xf32>, vector<128x128xf32>, vector<1000x128xf32> -> vector<1000x128xf32>
    %swap3A = arith.constant 0 : index
    %swap3A_25 = arith.constant 0 : index
    %swap3A_26 = vector.load %arg6[%swap3A, %swap3A_25] : memref<1000x128xf32, #tpu.memory_space<vmem>>, vector<1000x128xf32>
    tpu.vector_store %arg6[%swap3A, %swap3A_25], %dot_general3A_24 {strides = array<i32>} : memref<1000x128xf32, #tpu.memory_space<vmem>>, vector<1000x128xf32>,
    return
  }
  func.func @transform_0(%arg0: i32) -> (i32, i32, i32) {
    %c0_i32 = arith.constant 0 : i32
    %c0_i32_0 = arith.constant 0 : i32
    %c0_i32_1 = arith.constant 0 : i32
    return %c0_i32, %arg0, %c0_i32_0 : i32, i32, i32
  }
  func.func @transform_1(%arg0: i32) -> (i32, i32, i32) {
    %c1_i32 = arith.constant 1 : i32
    %c0_i32 = arith.constant 0 : i32
    %c0_i32_0 = arith.constant 0 : i32
    return %c1_i32, %arg0, %c0_i32 : i32, i32, i32
  }
  func.func @transform_2(%arg0: i32) -> (i32, i32) {
    %c0_i32 = arith.constant 0 : i32
    %c0_i32_0 = arith.constant 0 : i32
    %c0_i32_1 = arith.constant 0 : i32
    return %c0_i32, %c0_i32_0 : i32, i32
  }
  func.func @transform_3(%arg0: i32) -> (i32, i32) {
    %c0_i32 = arith.constant 0 : i32
    %c0_i32_0 = arith.constant 0 : i32
    %c0_i32_1 = arith.constant 0 : i32
    return %c0_i32, %c0_i32_0 : i32, i32
  }
  func.func @transform_4(%arg0: i32) -> (i32, i32) {
    %c0_i32 = arith.constant 0 : i32
    %c0_i32_0 = arith.constant 0 : i32
    %c0_i32_1 = arith.constant 0 : i32
    return %c0_i32, %c0_i32_0 : i32, i32
  }
  func.func @transform_5(%arg0: i32) -> (i32, i32) {
    %c0_i32 = arith.constant 0 : i32
    %c0_i32_0 = arith.constant 0 : i32
    return %arg0, %c0_i32 : i32, i32
  }
}

module attributes {stable_mosaic.version = 14 : i64} {
  func.func @_comb_body(%arg0: i32, %arg1: memref<1x1000x128xf32, #tpu.memory_space<vmem>>, %arg2: memref<1x1000x128xf32, #tpu.memory_space<vmem>>, %arg3: memref<1x128xf32, #tpu.memory_space<vmem>>, %arg4: memref<1000x128xf32, #tpu.memory_space<vmem>>) attributes {dimension_semantics = [#tpu.dimension_semantics<arbitrary>], iteration_bounds = array<i64: 10>, scalar_prefetch = 0 : i64, scratch_operands = 0 : i64, tpu.core_type = #tpu.core_type<tc>, window_params = [{transform_indices = @transform_0, window_bounds = array<i64: 1, 1000, 128>}, {transform_indices = @transform_1, window_bounds = array<i64: 1, 1000, 128>}, {pipeline_mode = #tpu.pipeline_mode<synchronous>, transform_indices = @transform_2, window_bounds = array<i64: 1, 128>}, {transform_indices = @transform_3, window_bounds = array<i64: 1000, 128>}]} {
    %get3A = arith.constant 0 : index
    %get3A_0 = arith.constant 0 : index
    %get3A_1 = arith.constant 0 : index
    %get3A_2 = vector.load %arg1[%get3A, %get3A_0, %get3A_1] : memref<1x1000x128xf32, #tpu.memory_space<vmem>>, vector<1x1000x128xf32>
    %get3A_3 = vector.shape_cast %get3A_2 : vector<1x1000x128xf32> to vector<1000x128xf32>
    %get3A_4 = arith.constant 0 : index
    %get3A_5 = arith.constant 0 : index
    %get3A_6 = arith.constant 0 : index
    %get3A_7 = vector.load %arg2[%get3A_4, %get3A_5, %get3A_6] : memref<1x1000x128xf32, #tpu.memory_space<vmem>>, vector<1x1000x128xf32>
    %get3A_8 = vector.shape_cast %get3A_7 : vector<1x1000x128xf32> to vector<1000x128xf32>
    %add3A = arith.addf %get3A_3, %get3A_8 : vector<1000x128xf32>
    %get3A_9 = arith.constant 0 : index
    %get3A_10 = arith.constant 0 : index
    %get3A_11 = vector.load %arg3[%get3A_9, %get3A_10] : memref<1x128xf32, #tpu.memory_space<vmem>>, vector<1x128xf32>
    %add3A_12 = vector.broadcast %get3A_11 : vector<1x128xf32> to vector<1000x128xf32>
    %add3A_13 = arith.addf %add3A, %add3A_12 : vector<1000x128xf32>
    %swap3A = arith.constant 0 : index
    %swap3A_14 = arith.constant 0 : index
    %swap3A_15 = vector.load %arg4[%swap3A, %swap3A_14] : memref<1000x128xf32, #tpu.memory_space<vmem>>, vector<1000x128xf32>
    tpu.vector_store %arg4[%swap3A, %swap3A_14], %add3A_13 {strides = array<i32>} : memref<1000x128xf32, #tpu.memory_space<vmem>>, vector<1000x128xf32>,
    return
  }
  func.func @transform_0(%arg0: i32) -> (i32, i32, i32) {
    %c0_i32 = arith.constant 0 : i32
    %c0_i32_0 = arith.constant 0 : i32
    %c0_i32_1 = arith.constant 0 : i32
    return %c0_i32, %arg0, %c0_i32_0 : i32, i32, i32
  }
  func.func @transform_1(%arg0: i32) -> (i32, i32, i32) {
    %c1_i32 = arith.constant 1 : i32
    %c0_i32 = arith.constant 0 : i32
    %c0_i32_0 = arith.constant 0 : i32
    return %c1_i32, %arg0, %c0_i32 : i32, i32, i32
  }
  func.func @transform_2(%arg0: i32) -> (i32, i32) {
    %c0_i32 = arith.constant 0 : i32
    %c0_i32_0 = arith.constant 0 : i32
    %c0_i32_1 = arith.constant 0 : i32
    return %c0_i32, %c0_i32_0 : i32, i32
  }
  func.func @transform_3(%arg0: i32) -> (i32, i32) {
    %c0_i32 = arith.constant 0 : i32
    %c0_i32_0 = arith.constant 0 : i32
    return %arg0, %c0_i32 : i32, i32
  }
}

</mosaic_0001>

<sc_bundles>
// kernel: kernel.6.cloned.1.call-start
scs
__scs_entry_jumppad:
0x0: {  	(pc) =	sbr.rel $0x88, $3  }
0x1: {  	(tag) =	ssettag $0x0;
	lr =	simm.s32 $0x1  }
0x2: {  	[smem:$0x3F9B] =	sst lr;
	_ =	strace $0xD0000000  }
0x3: {  	_ = 	snop  }
0x4: {  	_ = 	snop  }
0x5: {  	_ = 	snop  }
0x6: {  	_ = 	snop  }
0x7: {  	_ = 	snop  }
__scs_overlays_trampoline_lowered:
0x8: {  	[smem:$0x3FAA] =	sst s0  }
0x9: {  	[smem:$0x3FAB] =	sst s1  }
0xa: {  	[smem:$0x3FAC] =	sst s2  }
0xb: {  	[smem:$0x3FAD] =	sst s3  }
0xc: {  	[smem:$0x3FAE] =	sst s4  }
0xd: {  	[smem:$0x3FAF] =	sst s5  }
0xe: {  	[smem:$0x3FB0] =	sst s6  }
0xf: {  	[smem:$0x3FB1] =	sst s7  }
0x10: {  	[smem:$0x3FB2] =	sst s8  }
0x11: {  	[smem:$0x3FB3] =	sst s9;
	s0 =	simm.s32 @!p0 $0x0  }
0x12: {  	s1 =	sld [smem:$0x3F99];
	s0 =	simm.s32 @p0 $0x1  }
0x13: {  	[smem:$0x3FB4] =	sst s0;
	s0 =	simm.s32 @!p1 $0x0  }
0x14: {  	s2 =	sld [smem:$0x3F98];
	s0 =	simm.s32 @p1 $0x1  }
0x15: {  	[smem:$0x3FB5] =	sst s0;
	s0 =	simm.s32 @!p2 $0x0  }
0x16: {  	s3 =	sld [smem:$0x3FDB];
	s0 =	simm.s32 @p2 $0x1  }
0x17: {  	s4 =	simm.s32 $0x1BF5;
	[smem:$0x3FB7] =	sst s0  }
0x18: {  	s0 =	sld [smem:$0x3F9A];
	_ =	swait.ge [sflag:s4], $0x0  }
0x19: {  	s7 =	sld [smem:$0x3F9B]  }
0x1a: {  	s8 =	sadd.s32 $0xFFFFE003, lr  }
0x1b: {  	s9 =	sadd.s32 $0xFFFFFEF7, lr;
	s5 =	simm.s32 $0xFFFFFFFF;
	p2 =	slt.u32 s8, $0xFFFFF086  }
0x1c: {  	p1 =	slt.u32 s9, $0xF7A;
	s5 =	simm.s32 @!p2 $0x0  }
0x1d: {  	s5 =	simm.s32 @p1 $0x1;
	p0 =	seq.s32 s7, s2  }
0x1e: {  	s7 =	smul.u32 @!p0 $0xF7A, s2;
	p2 =	seq.s32 @!p0 s5, $0x0  }
0x1f: {  	s9 =	smul.u32 $0xF7A, s1;
	s8 =	simm.s32 @!p0 $0x1BF5;
	p2 =	por !p2, p0  }
0x20: {  	[sflag:s8] =	ssyncset.s32 @!p0 $0xFFFFF086;
	s6 =	sadd.s32 @!p0 s3, s7;
	s7 =	simm.s32 @!p0 $0x108  }
0x21: {  	s3 =	sadd.s32 s3, s9;
	s6 =	sadd.s32 @!p0 $0x88, s6;
	s7 =	simm.s32 @p2 $0x1082  }
0x22: {  	[simem:s7], [sflag:s8] =	dma.local @!p0 [hbm:s6], $0xF7A  }
0x23: {  	s9 =	sor.u32 $0xD0000000, s2;
	s6 =	simm.s32 $0x108;
	_ =	swait.ge @!p0 [sflag:s8], $0x0  }
0x24: {  	s3 =	sadd.s32 $0x88, s3;
	s6 =	simm.s32 @!p1 $0x1082;
	[sflag:s4] =	ssyncset.s32 $0xFFFFF086  }
0x25: {  	[simem:s6], [sflag:s4] =	dma.local [hbm:s3], $0xF7A  }
0x26: {  	[smem:$0x3F9B] =	sst s1;
	(tag) =	ssettag s2;
	_ =	strace s9  }
0x27: {  	s1 =	sld [smem:$0x3FAB]  }
0x28: {  	s2 =	sld [smem:$0x3FAC]  }
0x29: {  	s4 =	sld [smem:$0x3FAE]  }
0x2a: {  	p0 =	seq.s32 s5, $0x0;
	s5 =	sld [smem:$0x3FAF]  }
0x2b: {  	s6 =	sld [smem:$0x3FB0]  }
0x2c: {  	s7 =	sld [smem:$0x3FB1]  }
0x2d: {  	s3 =	simm.s32 $0x108;
	s8 =	sld [smem:$0x3FB2]  }
0x2e: {  	s3 =	simm.s32 @!p0 $0x1082;
	s9 =	sld [smem:$0x3FB3]  }
0x2f: {  	lr =	sadd.s32 s0, s3;
	s0 =	sld [smem:$0x3FAA]  }
0x30: {  	s3 =	sld [smem:$0x3FAD]  }
0x31: {  	[smem:$0x3FB6] =	sst s10  }
0x32: {  	s10 =	sld [smem:$0x3FB4];
	_ =	sdelay $0x3  }
0x33: {  	p0 =	seq.s32 s10, $0x1;
	s10 =	sld [smem:$0x3FB6];
	_ =	sdelay $0x3  }
0x34: {  	[smem:$0x3FB6] =	sst s10  }
0x35: {  	s10 =	sld [smem:$0x3FB5];
	_ =	sdelay $0x3  }
0x36: {  	p1 =	seq.s32 s10, $0x1;
	s10 =	sld [smem:$0x3FB6];
	_ =	sdelay $0x3  }
0x37: {  	[smem:$0x3FB6] =	sst s10  }
0x38: {  	s10 =	sld [smem:$0x3FB7]  }
0x39: {  	_ = 	snop;
	(pc) =	sbr.ind lr, $3  }
0x3a: {  	_ = 	snop  }
0x3b: {  	_ = 	snop  }
0x3c: {  	p2 =	seq.s32 s10, $0x1;
	s10 =	sld [smem:$0x3FB6]  }
0x3d: {  	_ =	shalt  }
0x3e: {  	_ =	shalt  }
0x3f: {  	_ =	shalt  }
0x40: {  	_ =	shalt  }
0x41: {  	_ =	shalt  }
0x42: {  	_ =	shalt  }
0x43: {  	_ =	shalt  }
0x44: {  	_ =	shalt  }
0x45: {  	_ =	shalt  }
0x46: {  	_ =	shalt  }
0x47: {  	_ =	shalt  }
0x48: {  	_ =	shalt  }
0x49: {  	_ =	shalt  }
0x4a: {  	_ =	shalt  }
0x4b: {  	_ =	shalt  }
0x4c: {  	_ =	shalt  }
0x4d: {  	_ =	shalt  }
0x4e: {  	_ =	shalt  }
0x4f: {  	_ =	shalt  }
0x50: {  	_ =	shalt  }
0x51: {  	_ =	shalt  }
0x52: {  	_ =	shalt  }
0x53: {  	_ =	shalt  }
0x54: {  	_ =	shalt  }
0x55: {  	_ =	shalt  }
0x56: {  	_ =	shalt  }
0x57: {  	_ =	shalt  }
0x58: {  	_ =	shalt  }
0x59: {  	_ =	shalt  }
0x5a: {  	_ =	shalt  }
0x5b: {  	_ =	shalt  }
0x5c: {  	_ =	shalt  }
0x5d: {  	_ =	shalt  }
0x5e: {  	_ =	shalt  }
0x5f: {  	_ =	shalt  }
0x60: {  	_ =	shalt  }
0x61: {  	_ =	shalt  }
0x62: {  	_ =	shalt  }
0x63: {  	_ =	shalt  }
0x64: {  	_ =	shalt  }
0x65: {  	_ =	shalt  }
0x66: {  	_ =	shalt  }
0x67: {  	_ =	shalt  }
0x68: {  	_ =	shalt  }
0x69: {  	_ =	shalt  }
0x6a: {  	_ =	shalt  }
0x6b: {  	_ =	shalt  }
0x6c: {  	_ =	shalt  }
0x6d: {  	_ =	shalt  }
0x6e: {  	_ =	shalt  }
0x6f: {  	_ =	shalt  }
0x70: {  	_ =	shalt  }
0x71: {  	_ =	shalt  }
0x72: {  	_ =	shalt  }
0x73: {  	_ =	shalt  }
0x74: {  	_ =	shalt  }
0x75: {  	_ =	shalt  }
0x76: {  	_ =	shalt  }
0x77: {  	_ =	shalt  }
0x78: {  	_ =	shalt  }
0x79: {  	_ =	shalt  }
0x7a: {  	_ =	shalt  }
0x7b: {  	_ =	shalt  }
0x7c: {  	_ =	shalt  }
0x7d: {  	_ =	shalt  }
0x7e: {  	_ =	shalt  }
0x7f: {  	_ =	shalt  }
0x80: {  	_ =	shalt  }
0x81: {  	_ =	shalt  }
0x82: {  	_ =	shalt  }
0x83: {  	_ =	shalt  }
0x84: {  	_ =	shalt  }
0x85: {  	_ =	shalt  }
0x86: {  	_ =	shalt  }
0x87: {  	_ =	shalt  }
.Lfunc_end0:
.L_simem_size_0:
called_computation_lowered:
.L_overlay_start_0:
0x88: {  	s2 =	sld [smem:$0x3FD9]  }
0x89: {  	s3 =	sld [smem:$0x3FFE];
	_ =	sdelay $0x1  }
0x8a: {  	s1 =	srdreg.scid  }
0x8b: {  	s0 =	sand.u32 $0x1, s1  }
0x8c: {  	s17 =	sshll.u32 s0, $0xA;
	s2 =	sadd.s32 s3, s2  }
0x8d: {  	s2 =	sadd.s32 s2, s17  }
0x8e: {  	[smem:$0x3FC2] =	sst s2  }
0x8f: {  	_ = 	snop  }
0x90: {  	s2 =	sld [smem:$0x3FC9];
	(tm) =	ssettm $0x1  }
0x91: {  	s18 =	sld [smem:$0x3FFB];
	_ =	sdelay $0x3  }
0x92: {  	_ =	strace s18  }
0x93: {  	s3 =	sld [smem:$0x3FFC];
	_ =	sdelay $0x3  }
0x94: {  	_ =	strace s3  }
0x95: {  	s3 =	sld [smem:$0x3FFD];
	_ =	sdelay $0x3  }
0x96: {  	_ =	strace s3  }
0x97: {  	_ =	strace $0x8FFFFFFF  }
0x98: {  	s19 =	sld [smem:$0x3FDB];
	_ =	sdelay $0x1  }
0x99: {  	s4 =	simm.s32 $_scs_section_size  }
0x9a: {  	s5 =	simm.s32 $_size__tile_overlayer_lowered;
	s6 =	simm.s32 $_tile_overlayer_lowered  }
0x9b: {  	s22 =	simm.s32 $0x1BFF;
	s21 =	sshll.u32 s6, $0x1;
	s3 =	sadd.s32 s4, s19  }
0x9c: {  	s7 =	simm.s32 $0x0;
	s20 =	sshll.u32 s5, $0x1;
	s5 =	sadd.s32 s21, s3  }
0x9d: {  	[timem:s7], [sflag:s22] =	dma.local [hbm:s5], s20  }
0x9e: {  	_ =	swait.ge [sflag:s22], s20  }
0x9f: {  	s4 =	ssub.s32 $0x0, s20;
	[sflag:s22] =	ssyncset.done $0x0  }
0xa0: {  	[sflag:s22] =	ssyncadd.s32 s4;
	_ =	sdelay $0x1  }
0xa1: {  	s23 =	simm.s32 $0x1B8B  }
0xa2: {  	_ =	swait.ge [sflag:s23], $0x1  }
0xa3: {  	[sflag:s23] =	ssyncset.done $0x0  }
0xa4: {  	s25 =	simm.s32 $0x1B8E;
	s24 =	sld [smem:$0x3FFE];
	[sflag:s23] =	ssyncadd.s32 $0xFFFFFFFF  }
0xa5: {  	s26 =	simm.s32 $execute0_lowered;
	[smem:$0x3FD2] =	sst s25  }
0xa6: {  	s5 =	sshll.u32 s26, $0x1;
	_ =	strace $0x80000046;
	[dreg:$0x1] =	wrdreg $0xFFFFFFFF  }
0xa7: {  	s28 =	simm.s32 $_size_execute0_lowered;
	s3 =	sadd.s32 s3, s5;
	[dreg:$0x0] =	wrdreg $0x0  }
0xa8: {  	s5 =	sshll.u32 s28, $0x1;
	[dreg:$0x2] =	wrdreg s3  }
0xa9: {  	[dreg:$0x3] =	wrdreg s5  }
0xaa: {  	[dreg:$0x4] =	wrdreg $0xC0  }
0xab: {  	_ =	task [dreg:s7], $0x5FFFF  }
0xac: {  	[dreg:$0x1] =	wrdreg $0xFFFFFFFF  }
0xad: {  	[dreg:$0x0] =	wrdreg $0x60  }
0xae: {  	[dreg:$0x2] =	wrdreg s2  }
0xaf: {  	[dreg:$0x3] =	wrdreg s24  }
0xb0: {  	[dreg:$0x4] =	wrdreg $0x6C000  }
0xb1: {  	[dreg:$0x5] =	wrdreg $0x9  }
0xb2: {  	_ =	task.clear_ibuf [dreg:s7], $0x6FFFF;
	_ =	strace $0x90000046  }
0xb3: {  	s29 =	simm.s32 $0x9;
	_ =	strace $0x80000048  }
0xb4: {  	_ =	swait.ge [sflag:s29], $0x1  }
0xb5: {  	[sflag:s29] =	ssyncadd.s32 $0xFFFFFFFF  }
0xb6: {  	_ =	strace $0x90000048  }
0xb7: {  	_ =	sfence  }
0xb8: {  	s30 =	sld [smem:$0x0];
	_ =	sdelay $0x2  }
0xb9: {  	s31 =	sshll.u32 s1, $0xD;
	s1 =	sshrl.u32 s1, $0x2  }
0xba: {  	s3 =	sand.u32 $0x4000, s31;
	s1 =	sadd.s32 s1, s30  }
0xbb: {  	s0 =	sor.u32 s3, s0;
	s1 =	sshll.u32 s1, $0x11  }
0xbc: {  	s0 =	sor.u32 s1, s0  }
0xbd: {  	s0 =	sadd.s32 $0x8F2B, s0  }
0xbe: {  	[sflag:s0] =	ssyncadd.remote.s32 $0x1  }
0xbf: {  	_ =	sfence.sel $0xFFFF  }
0xc0: {  	[dreg:$0x0] =	wrdreg $0xFFFFFFFF;
	(pc) =	sbr.abs _section_cstart, $3  }
0xc1: {  	[dreg:$0x1] =	wrdreg $0xFFFFFFFF  }
0xc2: {  	_ =	task.clear_ibuf [dreg:s7], $0x2FFFF;
	_ =	strace $0x9FFFFFFF  }
0xc3: {  	(tm) =	ssettm $0x7FFFFFFF  }
tec
execute0_lowered:
.L_overlay_start_1:
0x0: {  	(tag) =	ssettag $0x1  }
0x1: {  	s2 =	rddreg [dreg:$0x0]  }
0x2: {  	s0 =	rddreg [dreg:$0x1]  }
0x3: {  	s3 =	rddreg [dreg:$0x2]  }
0x4: {  	s11 =	stileid.u32;
	s1 =	srdreg.scid  }
0x5: {  	s4 =	simm.s32 $0x0;
	s28 =	simm.s32 $0x200;
	s29 =	simm.s32 $0x3  }
0x6: {  	s30 =	simm.s32 $0x7;
	s31 =	simm.s32 $0x2;
	s6 =	smul.u32 $0x13C00, s11  }
0x7: {  	s1 =	sand.u32 $0x1, s1;
	[smem:$0x7FF] =	sst s4;
	s10 =	smul.u32 $0x4F000, s11  }
0x8: {  	s5 =	sadd.s32 $0xE00, s0;
	s15 =	sshll.u32 s11, $0x1;
	s18 =	smul.u32 $0xC800, s11  }
0x9: {  	s19 =	sshll.u32 s11, $0x6;
	s11 =	simm.s32 $0x0;
	s7 =	smul.u32 $0x13C000, s1  }
0xa: {  	_ =	strace $0x80000047;
	s9 =	ssub.s32 $0x2, s1;
	[dreg:$0x5] =	wrdreg s19  }
0xb: {  	s8 =	sshrl.u32 s6, $0x3;
	s16 =	sshrl.u32 s9, $0x1;
	s17 =	sshrl.u32 s10, $0x2  }
0xc: {  	s10 =	simm.s32 $0x280;
	s6 =	sadd.s32 s6, s7;
	s14 =	sadd.s32 s8, s0  }
0xd: {  	s8 =	sor.u32 s1, s15;
	s1 =	smul.u32 $0x6400, s1;
	s6 =	sshrl.u32 s6, $0x3  }
0xe: {  	s8 =	smul.u32 $0x6400, s8;
	s7 =	sadd.s32 $0x19E00, s14;
	s0 =	sadd.s32 s6, s0  }
0xf: {  	s6 =	ssub.s32 s9, s16;
	s9 =	sadd.s32 s17, s3;
	[dreg:$0x4] =	wrdreg s7  }
0x10: {  	s7 =	sor.u32 $0x1C09, s19;
	s1 =	sadd.s32 s1, s18;
	s18 =	simm.s32 $0xA  }
0x11: {  	s19 =	simm.s32 $0x64;
	s8 =	sshrl.u32 s8, $0x3;
	[dreg:$0x7] =	wrdreg s7  }
0x12: {  	s0 =	sadd.s32 $0x41600, s0;
	s21 =	smax.u32 s6, $0x1;
	s22 =	sadd.s32 $0x500, s1  }
0x13: {  	s23 =	sor.u32 $0x300, s1;
	s24 =	sor.u32 $0x200, s1;
	s1 =	sadd.s32 $0x400, s1  }
0x14: {  	s14 =	sshrl.u32 s9, $0x3;
	s6 =	simm.s32 $0x4;
	s9 =	simm.s32 $0x8  }
0x15: {  	s7 =	simm.s32 $0x380;
	s8 =	sadd.s32 s5, s8;
	[dreg:$0x9] =	wrdreg s0  }
0x16: {  	[dreg:$0xa] =	wrdreg s21;
	s0 =	sshrl.u32 s22, $0x3;
	s25 =	sshrl.u32 s23, $0x3  }
0x17: {  	s26 =	sshrl.u32 s24, $0x3;
	[dreg:$0xb] =	wrdreg s1;
	s21 =	simm.s32 $0x100  }
.Ltmp0:
0x18: {  	s23 =	simm.s32 $0x6;
	[dreg:$0xc] =	wrdreg s14;
	(pc) =	sbr.rel .LBB2_1-.Ltmp0, $4  }
0x19: {  	s24 =	simm.s32 $0x3800;
	s1 =	simm.s32 $0x300;
	[dreg:$0x6] =	wrdreg s8  }
0x1a: {  	s20 =	sadd.s32 $0x20, s8;
	s13 =	sadd.s32 s0, s5;
	s15 =	sadd.s32 s25, s5  }
0x1b: {  	s16 =	sadd.s32 s26, s5;
	s25 =	simm.s32 $0x1;
	s26 =	simm.s32 $0x80  }
0x1c: {  	s0 =	simm.s32 $0x180;
	[dreg:$0x8] =	wrdreg s20;
	s20 =	simm.s32 $0x400  }
.LBB2_4:
0x1d: {  	_ =	swait.ge [sflag:s6], $0x3200  }
0x1e: {  	[sflag:s6] =	ssyncset.done $0x0  }
0x1f: {  	[sflag:s6] =	ssyncadd.s32 $0xFFFFCE00  }
0x20: {  	[bflag:$0x0] =	sbarrier.arrive $0xFFFF  }
0x21: {  	s8 =	rddreg [dreg:$0x5]  }
0x22: {  	s12 =	rddreg [dreg:$0x9]  }
0x23: {  	s14 =	rddreg [dreg:$0xc];
	s8 =	sor.u32 $0x1C0A, s8  }
0x24: {  	[hbm:s12], [sflag:s8] =	dma.local [spmem:s14], $0x2780  }
0x25: {  	_ =	swait.ge [sflag:s18], $0x2780  }
0x26: {  	s11 =	sadd.s32 $0x1, s11;
	s22 =	rddreg [dreg:$0xa]  }
0x27: {  	p0 =	sne.s32 s11, s22  }
.Ltmp1:
0x28: {  	_ = 	snop;
	(pc) =	sbr.rel @!p0 .LBB2_5-.Ltmp1, $3  }
0x29: {  	_ =	sdelay $0x1  }
0x2a: {  	[sflag:s18] =	ssyncset.done $0x0  }
0x2b: {  	[sflag:s18] =	ssyncadd.s32 $0xFFFFD880  }
.LBB2_1:
0x2c: {  	s8 =	rddreg [dreg:$0x4]  }
0x2d: {  	s12 =	rddreg [dreg:$0x7]  }
0x2e: {  	[spmem:s14], [sflag:s12] =	dma.local [hbm:s8], $0x2780  }
0x2f: {  	s8 =	rddreg [dreg:$0x6]  }
0x30: {  	[tilespmem:s4], [sflag:$0xA] =	stream.linear.gather [hbm4b:s8+s4], $0x100, $0x38;
	[tilespmem:$0x1A800] =	vst v63  }
0x31: {  	_ =	swait.ge [sflag:s18], $0x100  }
0x32: {  	[sflag:s18] =	ssyncset.done $0x0  }
0x33: {  	[sflag:s18] =	ssyncadd.s32 $0xFFFFFF00  }
0x34: {  	[tilespmem:s20], [sflag:$0x1] =	stream.indirect.gather [hbm4b:s2+s19], $0x80, s4, s19, $0xb8;
	[tilespmem:$0x1A800] =	vst v63  }
0x35: {  	s22 =	simm.s32 $0x9;
	s17 =	rddreg [dreg:$0x8]  }
0x36: {  	[tilespmem:s21], [sflag:$0x6] =	stream.linear.gather [hbm4b:s17+s4], $0x100, $0x38;
	[tilespmem:$0x1A800] =	vst v63  }
0x37: {  	_ =	swait.ge [sflag:s22], $0x2780  }
0x38: {  	[sflag:s22] =	ssyncset.done $0x0  }
0x39: {  	[sflag:s22] =	ssyncadd.s32 $0xFFFFD880  }
0x3a: {  	[bflag:$0x0] =	sbarrier.arrive $0xFFFF  }
0x3b: {  	s12 =	simm.s32 $0x0;
	s14 =	rddreg [dreg:$0xb]  }
.LBB2_2:
0x3c: {  	p0 =	seq.s32 s12, $0x0  }
0x3d: {  	s8 =	simm.s32 @!p0 $0x4  }
0x3e: {  	_ =	swait.ge @!p0 [sflag:s8], $0x3200  }
0x3f: {  	[sflag:s8] =	ssyncset.done @!p0 $0x0  }
0x40: {  	[sflag:s8] =	ssyncadd.s32 @!p0 $0xFFFFCE00  }
0x41: {  	_ =	swait.ge [sflag:s23], $0x100  }
0x42: {  	[sflag:s23] =	ssyncset.done $0x0  }
0x43: {  	[sflag:s23] =	ssyncadd.s32 $0xFFFFFF00  }
0x44: {  	[tilespmem:s24], [sflag:$0x2] =	stream.indirect.gather [hbm4b:s2+s19], $0x80, s21, s19, $0xb8;
	[tilespmem:$0x1A800] =	vst v63  }
0x45: {  	_ =	swait.ge [sflag:s25], $0x3200  }
0x46: {  	[sflag:s25] =	ssyncset.done $0x0  }
0x47: {  	[sflag:s25] =	ssyncadd.s32 $0xFFFFCE00  }
0x48: {  	[spmem:s3] =	stream.indirect.scatter.add.f32 [tilespmem:s20], [sflag:$0x3], $0x80, s26, s19, $0xb8;
	[tilespmem:$0x1A800] =	vst v63  }
0x49: {  	s17 =	sadd.s32 s12, s16  }
0x4a: {  	[tilespmem:s28], [sflag:$0x7] =	stream.linear.gather [hbm4b:s17+s4], $0x100, $0x38;
	[tilespmem:$0x1A800] =	vst v63  }
0x4b: {  	_ =	swait.ge [sflag:s29], $0x3200  }
0x4c: {  	[sflag:s29] =	ssyncset.done $0x0  }
0x4d: {  	[sflag:s29] =	ssyncadd.s32 $0xFFFFCE00  }
0x4e: {  	_ =	swait.ge [sflag:s30], $0x100  }
0x4f: {  	[sflag:s30] =	ssyncset.done $0x0  }
0x50: {  	[sflag:s30] =	ssyncadd.s32 $0xFFFFFF00  }
0x51: {  	[tilespmem:s20], [sflag:$0x1] =	stream.indirect.gather [hbm4b:s2+s19], $0x80, s28, s19, $0xb8;
	[tilespmem:$0x1A800] =	vst v63  }
0x52: {  	_ =	swait.ge [sflag:s31], $0x3200  }
0x53: {  	[sflag:s31] =	ssyncset.done $0x0  }
0x54: {  	[sflag:s31] =	ssyncadd.s32 $0xFFFFCE00  }
0x55: {  	[spmem:s3] =	stream.indirect.scatter.add.f32 [tilespmem:s24], [sflag:$0x4], $0x80, s0, s19, $0xb8;
	[tilespmem:$0x1A800] =	vst v63  }
0x56: {  	s22 =	sadd.s32 s12, s15  }
0x57: {  	[tilespmem:s1], [sflag:$0x8] =	stream.linear.gather [hbm4b:s22+s4], $0x100, $0x38;
	[tilespmem:$0x1A800] =	vst v63  }
0x58: {  	_ =	swait.ge [sflag:s6], $0x3200  }
0x59: {  	[sflag:s6] =	ssyncset.done $0x0  }
0x5a: {  	[sflag:s6] =	ssyncadd.s32 $0xFFFFCE00  }
0x5b: {  	_ =	swait.ge [sflag:s9], $0x100  }
0x5c: {  	[sflag:s9] =	ssyncset.done $0x0  }
0x5d: {  	[sflag:s9] =	ssyncadd.s32 $0xFFFFFF00  }
0x5e: {  	[tilespmem:s24], [sflag:$0x2] =	stream.indirect.gather [hbm4b:s2+s19], $0x80, s1, s19, $0xb8;
	[tilespmem:$0x1A800] =	vst v63  }
0x5f: {  	_ =	swait.ge [sflag:s25], $0x3200  }
0x60: {  	p0 =	seq.s32 s12, $0xC00;
	[sflag:s25] =	ssyncset.done $0x0  }
0x61: {  	s8 =	simm.s32 @p0 $0x3;
	[sflag:s25] =	ssyncadd.s32 $0xFFFFCE00  }
0x62: {  	[spmem:s3] =	stream.indirect.scatter.add.f32 [tilespmem:s20], [sflag:$0x3], $0x80, s10, s19, $0xb8;
	[tilespmem:$0x1A800] =	vst v63  }
0x63: {  	_ =	swait.ge @p0 [sflag:s8], $0x3200  }
0x64: {  	s22 =	sshrl.u32 @!p0 s14, $0x3;
	[sflag:s8] =	ssyncset.done @p0 $0x0  }
0x65: {  	[sflag:s8] =	ssyncadd.s32 @p0 $0xFFFFCE00;
	s8 =	sadd.s32 @!p0 s5, s22;
	s22 =	simm.s32 @!p0 $0x0  }
0x66: {  	[tilespmem:s22], [sflag:$0x5] =	stream.linear.gather @!p0 [hbm4b:s8+s22], $0x100, $0x38;
	[tilespmem:$0x1A800] =	vst v63  }
0x67: {  	s8 =	simm.s32 @!p0 $0x3  }
0x68: {  	_ =	swait.ge @!p0 [sflag:s8], $0x3200  }
0x69: {  	[sflag:s8] =	ssyncset.done @!p0 $0x0  }
0x6a: {  	[sflag:s8] =	ssyncadd.s32 @!p0 $0xFFFFCE00;
	s8 =	simm.s32 @!p0 $0x5  }
0x6b: {  	_ =	swait.ge @!p0 [sflag:s8], $0x100  }
0x6c: {  	[sflag:s8] =	ssyncset.done @!p0 $0x0  }
0x6d: {  	s17 =	simm.s32 @!p0 $0x400;
	[sflag:s8] =	ssyncadd.s32 @!p0 $0xFFFFFF00;
	s8 =	simm.s32 @!p0 $0x64  }
0x6e: {  	[tilespmem:s17], [sflag:$0x1] =	stream.indirect.gather @!p0 [hbm4b:s2+s8], $0x80, s22, s8, $0xb8;
	[tilespmem:$0x1A800] =	vst v63  }
.Ltmp2:
0x6f: {  	_ = 	snop;
	(pc) =	sbr.rel @p0 .LBB2_4-.Ltmp2, $4  }
0x70: {  	_ =	swait.ge [sflag:s31], $0x3200  }
0x71: {  	[sflag:s31] =	ssyncset.done $0x0  }
0x72: {  	[sflag:s31] =	ssyncadd.s32 $0xFFFFCE00  }
0x73: {  	[spmem:s3] =	stream.indirect.scatter.add.f32 [tilespmem:s24], [sflag:$0x4], $0x80, s7, s19, $0xb8;
	[tilespmem:$0x1A800] =	vst v63  }
.Ltmp3:
0x74: {  	(pc) =	sbr.rel .LBB2_2-.Ltmp3, $3  }
0x75: {  	_ =	sdelay $0x1  }
0x76: {  	s8 =	sadd.s32 s12, s13;
	s12 =	sadd.s32 $0x80, s12;
	s14 =	sadd.s32 $0x400, s14  }
0x77: {  	[tilespmem:s21], [sflag:$0x6] =	stream.linear.gather [hbm4b:s8+s4], $0x100, $0x38;
	[tilespmem:$0x1A800] =	vst v63  }
.LBB2_5:
0x78: {  	_ =	sfence.sel $0x180000  }
0x79: {  	[bflag:$0x0] =	sbarrier.arrive $0xFFFF  }
0x7a: {  	_ =	strace $0x90000047  }
0x7b: {  	s0 =	stileid.u32;
	[bflag:$0x2] =	sbarrier.arrive $0xFFFF  }
0x7c: {  	p0 =	sne.s32 s0, $0x0;
	s0 =	rddreg [dreg:$0x3]  }
0x7d: {  	s0 =	sadd.s32 @!p0 $0x100000, s0  }
0x7e: {  	[sflag:s0] =	ssyncadd.tile.s32 @!p0 $0x1;
	_ =	shalt  }
.Lfunc_end2:
_tile_overlayer_lowered:
.L_overlay_start_2:
0x7f: {  	(tag) =	ssettag $0x2  }
0x80: {  	s0 =	rddreg [dreg:$0x0];
	s2 =	stileid.u32  }
0x81: {  	s1 =	rddreg [dreg:$0x1];
	p0 =	sne.s32 s2, $0x0  }
0x82: {  	s3 =	rddreg [dreg:$0x2];
	[bflag:$0x3] =	sbarrier.arrive $0xFFFF;
	s2 =	simm.s32 @!p0 $0x1C0A  }
0x83: {  	[timem:s3], [sflag:s2] =	dma.local @!p0 [hbm:s0], s1  }
0x84: {  	s0 =	simm.s32 @!p0 $0xA  }
0x85: {  	_ =	swait.ge @!p0 [sflag:s0], s1  }
0x86: {  	s1 =	ssub.s32 @!p0 $0x0, s1;
	[sflag:s0] =	ssyncset.done @!p0 $0x0  }
0x87: {  	[sflag:s0] =	ssyncadd.s32 @!p0 s1  }
0x88: {  	[bflag:$0x3] =	sbarrier.arrive $0xFFFF  }
0x89: {  	_ =	shalt  }

// kernel: kernel.9.cloned.1.call-start
scs
__scs_entry_jumppad:
0x0: {  	(pc) =	sbr.rel $0x88, $3  }
0x1: {  	(tag) =	ssettag $0x0;
	lr =	simm.s32 $0x1  }
0x2: {  	[smem:$0x3F9B] =	sst lr;
	_ =	strace $0xD0000000  }
0x3: {  	_ = 	snop  }
0x4: {  	_ = 	snop  }
0x5: {  	_ = 	snop  }
0x6: {  	_ = 	snop  }
0x7: {  	_ = 	snop  }
__scs_overlays_trampoline_lowered:
0x8: {  	[smem:$0x3FAA] =	sst s0  }
0x9: {  	[smem:$0x3FAB] =	sst s1  }
0xa: {  	[smem:$0x3FAC] =	sst s2  }
0xb: {  	[smem:$0x3FAD] =	sst s3  }
0xc: {  	[smem:$0x3FAE] =	sst s4  }
0xd: {  	[smem:$0x3FAF] =	sst s5  }
0xe: {  	[smem:$0x3FB0] =	sst s6  }
0xf: {  	[smem:$0x3FB1] =	sst s7  }
0x10: {  	[smem:$0x3FB2] =	sst s8  }
0x11: {  	[smem:$0x3FB3] =	sst s9;
	s0 =	simm.s32 @!p0 $0x0  }
0x12: {  	s1 =	sld [smem:$0x3F99];
	s0 =	simm.s32 @p0 $0x1  }
0x13: {  	[smem:$0x3FB4] =	sst s0;
	s0 =	simm.s32 @!p1 $0x0  }
0x14: {  	s2 =	sld [smem:$0x3F98];
	s0 =	simm.s32 @p1 $0x1  }
0x15: {  	[smem:$0x3FB5] =	sst s0;
	s0 =	simm.s32 @!p2 $0x0  }
0x16: {  	s3 =	sld [smem:$0x3FDB];
	s0 =	simm.s32 @p2 $0x1  }
0x17: {  	s4 =	simm.s32 $0x1BF5;
	[smem:$0x3FB7] =	sst s0  }
0x18: {  	s0 =	sld [smem:$0x3F9A];
	_ =	swait.ge [sflag:s4], $0x0  }
0x19: {  	s7 =	sld [smem:$0x3F9B]  }
0x1a: {  	s8 =	sadd.s32 $0xFFFFE003, lr  }
0x1b: {  	s9 =	sadd.s32 $0xFFFFFEF7, lr;
	s5 =	simm.s32 $0xFFFFFFFF;
	p2 =	slt.u32 s8, $0xFFFFF086  }
0x1c: {  	p1 =	slt.u32 s9, $0xF7A;
	s5 =	simm.s32 @!p2 $0x0  }
0x1d: {  	s5 =	simm.s32 @p1 $0x1;
	p0 =	seq.s32 s7, s2  }
0x1e: {  	s7 =	smul.u32 @!p0 $0xF7A, s2;
	p2 =	seq.s32 @!p0 s5, $0x0  }
0x1f: {  	s9 =	smul.u32 $0xF7A, s1;
	s8 =	simm.s32 @!p0 $0x1BF5;
	p2 =	por !p2, p0  }
0x20: {  	[sflag:s8] =	ssyncset.s32 @!p0 $0xFFFFF086;
	s6 =	sadd.s32 @!p0 s3, s7;
	s7 =	simm.s32 @!p0 $0x108  }
0x21: {  	s3 =	sadd.s32 s3, s9;
	s6 =	sadd.s32 @!p0 $0x88, s6;
	s7 =	simm.s32 @p2 $0x1082  }
0x22: {  	[simem:s7], [sflag:s8] =	dma.local @!p0 [hbm:s6], $0xF7A  }
0x23: {  	s9 =	sor.u32 $0xD0000000, s2;
	s6 =	simm.s32 $0x108;
	_ =	swait.ge @!p0 [sflag:s8], $0x0  }
0x24: {  	s3 =	sadd.s32 $0x88, s3;
	s6 =	simm.s32 @!p1 $0x1082;
	[sflag:s4] =	ssyncset.s32 $0xFFFFF086  }
0x25: {  	[simem:s6], [sflag:s4] =	dma.local [hbm:s3], $0xF7A  }
0x26: {  	[smem:$0x3F9B] =	sst s1;
	(tag) =	ssettag s2;
	_ =	strace s9  }
0x27: {  	s1 =	sld [smem:$0x3FAB]  }
0x28: {  	s2 =	sld [smem:$0x3FAC]  }
0x29: {  	s4 =	sld [smem:$0x3FAE]  }
0x2a: {  	p0 =	seq.s32 s5, $0x0;
	s5 =	sld [smem:$0x3FAF]  }
0x2b: {  	s6 =	sld [smem:$0x3FB0]  }
0x2c: {  	s7 =	sld [smem:$0x3FB1]  }
0x2d: {  	s3 =	simm.s32 $0x108;
	s8 =	sld [smem:$0x3FB2]  }
0x2e: {  	s3 =	simm.s32 @!p0 $0x1082;
	s9 =	sld [smem:$0x3FB3]  }
0x2f: {  	lr =	sadd.s32 s0, s3;
	s0 =	sld [smem:$0x3FAA]  }
0x30: {  	s3 =	sld [smem:$0x3FAD]  }
0x31: {  	[smem:$0x3FB6] =	sst s10  }
0x32: {  	s10 =	sld [smem:$0x3FB4];
	_ =	sdelay $0x3  }
0x33: {  	p0 =	seq.s32 s10, $0x1;
	s10 =	sld [smem:$0x3FB6];
	_ =	sdelay $0x3  }
0x34: {  	[smem:$0x3FB6] =	sst s10  }
0x35: {  	s10 =	sld [smem:$0x3FB5];
	_ =	sdelay $0x3  }
0x36: {  	p1 =	seq.s32 s10, $0x1;
	s10 =	sld [smem:$0x3FB6];
	_ =	sdelay $0x3  }
0x37: {  	[smem:$0x3FB6] =	sst s10  }
0x38: {  	s10 =	sld [smem:$0x3FB7]  }
0x39: {  	_ = 	snop;
	(pc) =	sbr.ind lr, $3  }
0x3a: {  	_ = 	snop  }
0x3b: {  	_ = 	snop  }
0x3c: {  	p2 =	seq.s32 s10, $0x1;
	s10 =	sld [smem:$0x3FB6]  }
0x3d: {  	_ =	shalt  }
0x3e: {  	_ =	shalt  }
0x3f: {  	_ =	shalt  }
0x40: {  	_ =	shalt  }
0x41: {  	_ =	shalt  }
0x42: {  	_ =	shalt  }
0x43: {  	_ =	shalt  }
0x44: {  	_ =	shalt  }
0x45: {  	_ =	shalt  }
0x46: {  	_ =	shalt  }
0x47: {  	_ =	shalt  }
0x48: {  	_ =	shalt  }
0x49: {  	_ =	shalt  }
0x4a: {  	_ =	shalt  }
0x4b: {  	_ =	shalt  }
0x4c: {  	_ =	shalt  }
0x4d: {  	_ =	shalt  }
0x4e: {  	_ =	shalt  }
0x4f: {  	_ =	shalt  }
0x50: {  	_ =	shalt  }
0x51: {  	_ =	shalt  }
0x52: {  	_ =	shalt  }
0x53: {  	_ =	shalt  }
0x54: {  	_ =	shalt  }
0x55: {  	_ =	shalt  }
0x56: {  	_ =	shalt  }
0x57: {  	_ =	shalt  }
0x58: {  	_ =	shalt  }
0x59: {  	_ =	shalt  }
0x5a: {  	_ =	shalt  }
0x5b: {  	_ =	shalt  }
0x5c: {  	_ =	shalt  }
0x5d: {  	_ =	shalt  }
0x5e: {  	_ =	shalt  }
0x5f: {  	_ =	shalt  }
0x60: {  	_ =	shalt  }
0x61: {  	_ =	shalt  }
0x62: {  	_ =	shalt  }
0x63: {  	_ =	shalt  }
0x64: {  	_ =	shalt  }
0x65: {  	_ =	shalt  }
0x66: {  	_ =	shalt  }
0x67: {  	_ =	shalt  }
0x68: {  	_ =	shalt  }
0x69: {  	_ =	shalt  }
0x6a: {  	_ =	shalt  }
0x6b: {  	_ =	shalt  }
0x6c: {  	_ =	shalt  }
0x6d: {  	_ =	shalt  }
0x6e: {  	_ =	shalt  }
0x6f: {  	_ =	shalt  }
0x70: {  	_ =	shalt  }
0x71: {  	_ =	shalt  }
0x72: {  	_ =	shalt  }
0x73: {  	_ =	shalt  }
0x74: {  	_ =	shalt  }
0x75: {  	_ =	shalt  }
0x76: {  	_ =	shalt  }
0x77: {  	_ =	shalt  }
0x78: {  	_ =	shalt  }
0x79: {  	_ =	shalt  }
0x7a: {  	_ =	shalt  }
0x7b: {  	_ =	shalt  }
0x7c: {  	_ =	shalt  }
0x7d: {  	_ =	shalt  }
0x7e: {  	_ =	shalt  }
0x7f: {  	_ =	shalt  }
0x80: {  	_ =	shalt  }
0x81: {  	_ =	shalt  }
0x82: {  	_ =	shalt  }
0x83: {  	_ =	shalt  }
0x84: {  	_ =	shalt  }
0x85: {  	_ =	shalt  }
0x86: {  	_ =	shalt  }
0x87: {  	_ =	shalt  }
.Lfunc_end0:
.L_simem_size_0:
called_computation.1_lowered:
.L_overlay_start_0:
0x88: {  	s2 =	sld [smem:$0x3FD9]  }
0x89: {  	s3 =	sld [smem:$0x3FFE];
	_ =	sdelay $0x1  }
0x8a: {  	s1 =	srdreg.scid  }
0x8b: {  	s0 =	sand.u32 $0x1, s1  }
0x8c: {  	s17 =	sshll.u32 s0, $0xA;
	s2 =	sadd.s32 s3, s2  }
0x8d: {  	s2 =	sadd.s32 s2, s17  }
0x8e: {  	[smem:$0x3FC2] =	sst s2  }
0x8f: {  	_ = 	snop  }
0x90: {  	s2 =	sld [smem:$0x3FD0];
	(tm) =	ssettm $0x1  }
0x91: {  	s18 =	sld [smem:$0x3FFB];
	_ =	sdelay $0x3  }
0x92: {  	_ =	strace s18  }
0x93: {  	s3 =	sld [smem:$0x3FFC];
	_ =	sdelay $0x3  }
0x94: {  	_ =	strace s3  }
0x95: {  	s3 =	sld [smem:$0x3FFD];
	_ =	sdelay $0x3  }
0x96: {  	_ =	strace s3  }
0x97: {  	_ =	strace $0x8FFFFFFF  }
0x98: {  	s19 =	sld [smem:$0x3FDB];
	_ =	sdelay $0x1  }
0x99: {  	s4 =	simm.s32 $_scs_section_size  }
0x9a: {  	s5 =	simm.s32 $_size__tile_overlayer_lowered;
	s6 =	simm.s32 $_tile_overlayer_lowered  }
0x9b: {  	s22 =	simm.s32 $0x1BFF;
	s21 =	sshll.u32 s6, $0x1;
	s3 =	sadd.s32 s4, s19  }
0x9c: {  	s7 =	simm.s32 $0x0;
	s20 =	sshll.u32 s5, $0x1;
	s5 =	sadd.s32 s21, s3  }
0x9d: {  	[timem:s7], [sflag:s22] =	dma.local [hbm:s5], s20  }
0x9e: {  	_ =	swait.ge [sflag:s22], s20  }
0x9f: {  	s4 =	ssub.s32 $0x0, s20;
	[sflag:s22] =	ssyncset.done $0x0  }
0xa0: {  	[sflag:s22] =	ssyncadd.s32 s4;
	_ =	sdelay $0x1  }
0xa1: {  	s23 =	simm.s32 $0x1B8B  }
0xa2: {  	_ =	swait.ge [sflag:s23], $0x1  }
0xa3: {  	[sflag:s23] =	ssyncset.done $0x0  }
0xa4: {  	s25 =	simm.s32 $0x1B8E;
	s24 =	sld [smem:$0x3FFE];
	[sflag:s23] =	ssyncadd.s32 $0xFFFFFFFF  }
0xa5: {  	s26 =	simm.s32 $execute0_lowered;
	[smem:$0x3FD2] =	sst s25  }
0xa6: {  	s5 =	sshll.u32 s26, $0x1;
	_ =	strace $0x80000049;
	[dreg:$0x1] =	wrdreg $0xFFFFFFFF  }
0xa7: {  	s28 =	simm.s32 $_size_execute0_lowered;
	s3 =	sadd.s32 s3, s5;
	[dreg:$0x0] =	wrdreg $0x0  }
0xa8: {  	s5 =	sshll.u32 s28, $0x1;
	[dreg:$0x2] =	wrdreg s3  }
0xa9: {  	[dreg:$0x3] =	wrdreg s5  }
0xaa: {  	[dreg:$0x4] =	wrdreg $0xC0  }
0xab: {  	_ =	task [dreg:s7], $0x5FFFF  }
0xac: {  	[dreg:$0x1] =	wrdreg $0xFFFFFFFF  }
0xad: {  	[dreg:$0x0] =	wrdreg $0x60  }
0xae: {  	[dreg:$0x2] =	wrdreg s2  }
0xaf: {  	[dreg:$0x3] =	wrdreg s24  }
0xb0: {  	[dreg:$0x4] =	wrdreg $0x6C000  }
0xb1: {  	[dreg:$0x5] =	wrdreg $0x9  }
0xb2: {  	_ =	task.clear_ibuf [dreg:s7], $0x6FFFF;
	_ =	strace $0x90000049  }
0xb3: {  	s29 =	simm.s32 $0x9;
	_ =	strace $0x8000004B  }
0xb4: {  	_ =	swait.ge [sflag:s29], $0x1  }
0xb5: {  	[sflag:s29] =	ssyncadd.s32 $0xFFFFFFFF  }
0xb6: {  	_ =	strace $0x9000004B  }
0xb7: {  	_ =	sfence  }
0xb8: {  	s30 =	sld [smem:$0x0];
	_ =	sdelay $0x2  }
0xb9: {  	s31 =	sshll.u32 s1, $0xD;
	s1 =	sshrl.u32 s1, $0x2  }
0xba: {  	s3 =	sand.u32 $0x4000, s31;
	s1 =	sadd.s32 s1, s30  }
0xbb: {  	s0 =	sor.u32 s3, s0;
	s1 =	sshll.u32 s1, $0x11  }
0xbc: {  	s0 =	sor.u32 s1, s0  }
0xbd: {  	s0 =	sadd.s32 $0x8F2B, s0  }
0xbe: {  	[sflag:s0] =	ssyncadd.remote.s32 $0x1  }
0xbf: {  	_ =	sfence.sel $0xFFFF  }
0xc0: {  	[dreg:$0x0] =	wrdreg $0xFFFFFFFF;
	(pc) =	sbr.abs _section_cstart, $3  }
0xc1: {  	[dreg:$0x1] =	wrdreg $0xFFFFFFFF  }
0xc2: {  	_ =	task.clear_ibuf [dreg:s7], $0x2FFFF;
	_ =	strace $0x9FFFFFFF  }
0xc3: {  	(tm) =	ssettm $0x7FFFFFFF  }
tec
execute0_lowered:
.L_overlay_start_1:
0x0: {  	(tag) =	ssettag $0x1  }
0x1: {  	s2 =	rddreg [dreg:$0x0]  }
0x2: {  	s0 =	rddreg [dreg:$0x1]  }
0x3: {  	s3 =	rddreg [dreg:$0x2]  }
0x4: {  	s11 =	stileid.u32;
	s1 =	srdreg.scid  }
0x5: {  	s4 =	simm.s32 $0x0;
	s28 =	simm.s32 $0x200;
	s29 =	simm.s32 $0x3  }
0x6: {  	s30 =	simm.s32 $0x7;
	s31 =	simm.s32 $0x2;
	s6 =	smul.u32 $0x13C00, s11  }
0x7: {  	s1 =	sand.u32 $0x1, s1;
	[smem:$0x7FF] =	sst s4;
	s10 =	smul.u32 $0x4F000, s11  }
0x8: {  	s5 =	sadd.s32 $0xE00, s0;
	s15 =	sshll.u32 s11, $0x1;
	s18 =	smul.u32 $0xC800, s11  }
0x9: {  	s19 =	sshll.u32 s11, $0x6;
	s11 =	simm.s32 $0x0;
	s7 =	smul.u32 $0x13C000, s1  }
0xa: {  	_ =	strace $0x8000004A;
	s9 =	ssub.s32 $0x2, s1;
	[dreg:$0x5] =	wrdreg s19  }
0xb: {  	s8 =	sshrl.u32 s6, $0x3;
	s16 =	sshrl.u32 s9, $0x1;
	s17 =	sshrl.u32 s10, $0x2  }
0xc: {  	s10 =	simm.s32 $0x280;
	s6 =	sadd.s32 s6, s7;
	s14 =	sadd.s32 s8, s0  }
0xd: {  	s8 =	sor.u32 s1, s15;
	s1 =	smul.u32 $0x6400, s1;
	s6 =	sshrl.u32 s6, $0x3  }
0xe: {  	s8 =	smul.u32 $0x6400, s8;
	s7 =	sadd.s32 $0x19E00, s14;
	s0 =	sadd.s32 s6, s0  }
0xf: {  	s6 =	ssub.s32 s9, s16;
	s9 =	sadd.s32 s17, s3;
	[dreg:$0x4] =	wrdreg s7  }
0x10: {  	s7 =	sor.u32 $0x1C09, s19;
	s1 =	sadd.s32 s1, s18;
	s18 =	simm.s32 $0xA  }
0x11: {  	s19 =	simm.s32 $0x64;
	s8 =	sshrl.u32 s8, $0x3;
	[dreg:$0x7] =	wrdreg s7  }
0x12: {  	s0 =	sadd.s32 $0x41600, s0;
	s21 =	smax.u32 s6, $0x1;
	s22 =	sadd.s32 $0x500, s1  }
0x13: {  	s23 =	sor.u32 $0x300, s1;
	s24 =	sor.u32 $0x200, s1;
	s1 =	sadd.s32 $0x400, s1  }
0x14: {  	s14 =	sshrl.u32 s9, $0x3;
	s6 =	simm.s32 $0x4;
	s9 =	simm.s32 $0x8  }
0x15: {  	s7 =	simm.s32 $0x380;
	s8 =	sadd.s32 s5, s8;
	[dreg:$0x9] =	wrdreg s0  }
0x16: {  	[dreg:$0xa] =	wrdreg s21;
	s0 =	sshrl.u32 s22, $0x3;
	s25 =	sshrl.u32 s23, $0x3  }
0x17: {  	s26 =	sshrl.u32 s24, $0x3;
	[dreg:$0xb] =	wrdreg s1;
	s21 =	simm.s32 $0x100  }
.Ltmp0:
0x18: {  	s23 =	simm.s32 $0x6;
	[dreg:$0xc] =	wrdreg s14;
	(pc) =	sbr.rel .LBB2_1-.Ltmp0, $4  }
0x19: {  	s24 =	simm.s32 $0x3800;
	s1 =	simm.s32 $0x300;
	[dreg:$0x6] =	wrdreg s8  }
0x1a: {  	s20 =	sadd.s32 $0x20, s8;
	s13 =	sadd.s32 s0, s5;
	s15 =	sadd.s32 s25, s5  }
0x1b: {  	s16 =	sadd.s32 s26, s5;
	s25 =	simm.s32 $0x1;
	s26 =	simm.s32 $0x80  }
0x1c: {  	s0 =	simm.s32 $0x180;
	[dreg:$0x8] =	wrdreg s20;
	s20 =	simm.s32 $0x400  }
.LBB2_4:
0x1d: {  	_ =	swait.ge [sflag:s6], $0x3200  }
0x1e: {  	[sflag:s6] =	ssyncset.done $0x0  }
0x1f: {  	[sflag:s6] =	ssyncadd.s32 $0xFFFFCE00  }
0x20: {  	[bflag:$0x0] =	sbarrier.arrive $0xFFFF  }
0x21: {  	s8 =	rddreg [dreg:$0x5]  }
0x22: {  	s12 =	rddreg [dreg:$0x9]  }
0x23: {  	s14 =	rddreg [dreg:$0xc];
	s8 =	sor.u32 $0x1C0A, s8  }
0x24: {  	[hbm:s12], [sflag:s8] =	dma.local [spmem:s14], $0x2780  }
0x25: {  	_ =	swait.ge [sflag:s18], $0x2780  }
0x26: {  	s11 =	sadd.s32 $0x1, s11;
	s22 =	rddreg [dreg:$0xa]  }
0x27: {  	p0 =	sne.s32 s11, s22  }
.Ltmp1:
0x28: {  	_ = 	snop;
	(pc) =	sbr.rel @!p0 .LBB2_5-.Ltmp1, $3  }
0x29: {  	_ =	sdelay $0x1  }
0x2a: {  	[sflag:s18] =	ssyncset.done $0x0  }
0x2b: {  	[sflag:s18] =	ssyncadd.s32 $0xFFFFD880  }
.LBB2_1:
0x2c: {  	s8 =	rddreg [dreg:$0x4]  }
0x2d: {  	s12 =	rddreg [dreg:$0x7]  }
0x2e: {  	[spmem:s14], [sflag:s12] =	dma.local [hbm:s8], $0x2780  }
0x2f: {  	s8 =	rddreg [dreg:$0x6]  }
0x30: {  	[tilespmem:s4], [sflag:$0xA] =	stream.linear.gather [hbm4b:s8+s4], $0x100, $0x38;
	[tilespmem:$0x1A800] =	vst v63  }
0x31: {  	_ =	swait.ge [sflag:s18], $0x100  }
0x32: {  	[sflag:s18] =	ssyncset.done $0x0  }
0x33: {  	[sflag:s18] =	ssyncadd.s32 $0xFFFFFF00  }
0x34: {  	[tilespmem:s20], [sflag:$0x1] =	stream.indirect.gather [hbm4b:s2+s19], $0x80, s4, s19, $0xb8;
	[tilespmem:$0x1A800] =	vst v63  }
0x35: {  	s22 =	simm.s32 $0x9;
	s17 =	rddreg [dreg:$0x8]  }
0x36: {  	[tilespmem:s21], [sflag:$0x6] =	stream.linear.gather [hbm4b:s17+s4], $0x100, $0x38;
	[tilespmem:$0x1A800] =	vst v63  }
0x37: {  	_ =	swait.ge [sflag:s22], $0x2780  }
0x38: {  	[sflag:s22] =	ssyncset.done $0x0  }
0x39: {  	[sflag:s22] =	ssyncadd.s32 $0xFFFFD880  }
0x3a: {  	[bflag:$0x0] =	sbarrier.arrive $0xFFFF  }
0x3b: {  	s12 =	simm.s32 $0x0;
	s14 =	rddreg [dreg:$0xb]  }
.LBB2_2:
0x3c: {  	p0 =	seq.s32 s12, $0x0  }
0x3d: {  	s8 =	simm.s32 @!p0 $0x4  }
0x3e: {  	_ =	swait.ge @!p0 [sflag:s8], $0x3200  }
0x3f: {  	[sflag:s8] =	ssyncset.done @!p0 $0x0  }
0x40: {  	[sflag:s8] =	ssyncadd.s32 @!p0 $0xFFFFCE00  }
0x41: {  	_ =	swait.ge [sflag:s23], $0x100  }
0x42: {  	[sflag:s23] =	ssyncset.done $0x0  }
0x43: {  	[sflag:s23] =	ssyncadd.s32 $0xFFFFFF00  }
0x44: {  	[tilespmem:s24], [sflag:$0x2] =	stream.indirect.gather [hbm4b:s2+s19], $0x80, s21, s19, $0xb8;
	[tilespmem:$0x1A800] =	vst v63  }
0x45: {  	_ =	swait.ge [sflag:s25], $0x3200  }
0x46: {  	[sflag:s25] =	ssyncset.done $0x0  }
0x47: {  	[sflag:s25] =	ssyncadd.s32 $0xFFFFCE00  }
0x48: {  	[spmem:s3] =	stream.indirect.scatter.add.f32 [tilespmem:s20], [sflag:$0x3], $0x80, s26, s19, $0xb8;
	[tilespmem:$0x1A800] =	vst v63  }
0x49: {  	s17 =	sadd.s32 s12, s16  }
0x4a: {  	[tilespmem:s28], [sflag:$0x7] =	stream.linear.gather [hbm4b:s17+s4], $0x100, $0x38;
	[tilespmem:$0x1A800] =	vst v63  }
0x4b: {  	_ =	swait.ge [sflag:s29], $0x3200  }
0x4c: {  	[sflag:s29] =	ssyncset.done $0x0  }
0x4d: {  	[sflag:s29] =	ssyncadd.s32 $0xFFFFCE00  }
0x4e: {  	_ =	swait.ge [sflag:s30], $0x100  }
0x4f: {  	[sflag:s30] =	ssyncset.done $0x0  }
0x50: {  	[sflag:s30] =	ssyncadd.s32 $0xFFFFFF00  }
0x51: {  	[tilespmem:s20], [sflag:$0x1] =	stream.indirect.gather [hbm4b:s2+s19], $0x80, s28, s19, $0xb8;
	[tilespmem:$0x1A800] =	vst v63  }
0x52: {  	_ =	swait.ge [sflag:s31], $0x3200  }
0x53: {  	[sflag:s31] =	ssyncset.done $0x0  }
0x54: {  	[sflag:s31] =	ssyncadd.s32 $0xFFFFCE00  }
0x55: {  	[spmem:s3] =	stream.indirect.scatter.add.f32 [tilespmem:s24], [sflag:$0x4], $0x80, s0, s19, $0xb8;
	[tilespmem:$0x1A800] =	vst v63  }
0x56: {  	s22 =	sadd.s32 s12, s15  }
0x57: {  	[tilespmem:s1], [sflag:$0x8] =	stream.linear.gather [hbm4b:s22+s4], $0x100, $0x38;
	[tilespmem:$0x1A800] =	vst v63  }
0x58: {  	_ =	swait.ge [sflag:s6], $0x3200  }
0x59: {  	[sflag:s6] =	ssyncset.done $0x0  }
0x5a: {  	[sflag:s6] =	ssyncadd.s32 $0xFFFFCE00  }
0x5b: {  	_ =	swait.ge [sflag:s9], $0x100  }
0x5c: {  	[sflag:s9] =	ssyncset.done $0x0  }
0x5d: {  	[sflag:s9] =	ssyncadd.s32 $0xFFFFFF00  }
0x5e: {  	[tilespmem:s24], [sflag:$0x2] =	stream.indirect.gather [hbm4b:s2+s19], $0x80, s1, s19, $0xb8;
	[tilespmem:$0x1A800] =	vst v63  }
0x5f: {  	_ =	swait.ge [sflag:s25], $0x3200  }
0x60: {  	p0 =	seq.s32 s12, $0xC00;
	[sflag:s25] =	ssyncset.done $0x0  }
0x61: {  	s8 =	simm.s32 @p0 $0x3;
	[sflag:s25] =	ssyncadd.s32 $0xFFFFCE00  }
0x62: {  	[spmem:s3] =	stream.indirect.scatter.add.f32 [tilespmem:s20], [sflag:$0x3], $0x80, s10, s19, $0xb8;
	[tilespmem:$0x1A800] =	vst v63  }
0x63: {  	_ =	swait.ge @p0 [sflag:s8], $0x3200  }
0x64: {  	s22 =	sshrl.u32 @!p0 s14, $0x3;
	[sflag:s8] =	ssyncset.done @p0 $0x0  }
0x65: {  	[sflag:s8] =	ssyncadd.s32 @p0 $0xFFFFCE00;
	s8 =	sadd.s32 @!p0 s5, s22;
	s22 =	simm.s32 @!p0 $0x0  }
0x66: {  	[tilespmem:s22], [sflag:$0x5] =	stream.linear.gather @!p0 [hbm4b:s8+s22], $0x100, $0x38;
	[tilespmem:$0x1A800] =	vst v63  }
0x67: {  	s8 =	simm.s32 @!p0 $0x3  }
0x68: {  	_ =	swait.ge @!p0 [sflag:s8], $0x3200  }
0x69: {  	[sflag:s8] =	ssyncset.done @!p0 $0x0  }
0x6a: {  	[sflag:s8] =	ssyncadd.s32 @!p0 $0xFFFFCE00;
	s8 =	simm.s32 @!p0 $0x5  }
0x6b: {  	_ =	swait.ge @!p0 [sflag:s8], $0x100  }
0x6c: {  	[sflag:s8] =	ssyncset.done @!p0 $0x0  }
0x6d: {  	s17 =	simm.s32 @!p0 $0x400;
	[sflag:s8] =	ssyncadd.s32 @!p0 $0xFFFFFF00;
	s8 =	simm.s32 @!p0 $0x64  }
0x6e: {  	[tilespmem:s17], [sflag:$0x1] =	stream.indirect.gather @!p0 [hbm4b:s2+s8], $0x80, s22, s8, $0xb8;
	[tilespmem:$0x1A800] =	vst v63  }
.Ltmp2:
0x6f: {  	_ = 	snop;
	(pc) =	sbr.rel @p0 .LBB2_4-.Ltmp2, $4  }
0x70: {  	_ =	swait.ge [sflag:s31], $0x3200  }
0x71: {  	[sflag:s31] =	ssyncset.done $0x0  }
0x72: {  	[sflag:s31] =	ssyncadd.s32 $0xFFFFCE00  }
0x73: {  	[spmem:s3] =	stream.indirect.scatter.add.f32 [tilespmem:s24], [sflag:$0x4], $0x80, s7, s19, $0xb8;
	[tilespmem:$0x1A800] =	vst v63  }
.Ltmp3:
0x74: {  	(pc) =	sbr.rel .LBB2_2-.Ltmp3, $3  }
0x75: {  	_ =	sdelay $0x1  }
0x76: {  	s8 =	sadd.s32 s12, s13;
	s12 =	sadd.s32 $0x80, s12;
	s14 =	sadd.s32 $0x400, s14  }
0x77: {  	[tilespmem:s21], [sflag:$0x6] =	stream.linear.gather [hbm4b:s8+s4], $0x100, $0x38;
	[tilespmem:$0x1A800] =	vst v63  }
.LBB2_5:
0x78: {  	_ =	sfence.sel $0x180000  }
0x79: {  	[bflag:$0x0] =	sbarrier.arrive $0xFFFF  }
0x7a: {  	_ =	strace $0x9000004A  }
0x7b: {  	s0 =	stileid.u32;
	[bflag:$0x2] =	sbarrier.arrive $0xFFFF  }
0x7c: {  	p0 =	sne.s32 s0, $0x0;
	s0 =	rddreg [dreg:$0x3]  }
0x7d: {  	s0 =	sadd.s32 @!p0 $0x100000, s0  }
0x7e: {  	[sflag:s0] =	ssyncadd.tile.s32 @!p0 $0x1;
	_ =	shalt  }
.Lfunc_end2:
_tile_overlayer_lowered:
.L_overlay_start_2:
0x7f: {  	(tag) =	ssettag $0x2  }
0x80: {  	s0 =	rddreg [dreg:$0x0];
	s2 =	stileid.u32  }
0x81: {  	s1 =	rddreg [dreg:$0x1];
	p0 =	sne.s32 s2, $0x0  }
0x82: {  	s3 =	rddreg [dreg:$0x2];
	[bflag:$0x3] =	sbarrier.arrive $0xFFFF;
	s2 =	simm.s32 @!p0 $0x1C0A  }
0x83: {  	[timem:s3], [sflag:s2] =	dma.local @!p0 [hbm:s0], s1  }
0x84: {  	s0 =	simm.s32 @!p0 $0xA  }
0x85: {  	_ =	swait.ge @!p0 [sflag:s0], s1  }
0x86: {  	s1 =	ssub.s32 @!p0 $0x0, s1;
	[sflag:s0] =	ssyncset.done @!p0 $0x0  }
0x87: {  	[sflag:s0] =	ssyncadd.s32 @!p0 s1  }
0x88: {  	[bflag:$0x3] =	sbarrier.arrive $0xFFFF  }
0x89: {  	_ =	shalt  }

</sc_bundles>
